<compile_context>
chip_gen: v7x
topology: tpu7x:2x2x1
jax: 0.10.2.dev20260603
libtpu: 0.0.44.dev20260713+nightly
codegen_flags: <defaults>
</compile_context>

<pallas_src>
import functools

import jax
import jax.numpy as jnp
from jax import lax
from jax.experimental import pallas as pl
from jax.experimental.pallas import tpu as pltpu
from jax.experimental.pallas import tpu_sc as plsc

B, S, D, H, E = 1, 2048, 768, 12, 8
DH = D // H
HALF = DH // 2
DFF = 2 * D
CAP = (B * S) // E
EPS = 1e-6
BT = 512
NT = S // BT
INV_SQRT_DH = 1.0 / (DH ** 0.5)


def _k1_body(x_ref, w1_ref, wq_ref, wk_ref, wv_ref, wqr_ref, wkr_ref,
             cos_ref, sin_ref, q_ref, k_ref, v_ref):
    bf = jnp.bfloat16
    x = x_ref[...]
    ms = jnp.mean(x * x, axis=-1, keepdims=True)
    xn = (x * jax.lax.rsqrt(ms + EPS) * w1_ref[...]).astype(bf)
    c = jnp.concatenate([cos_ref[...]] * H, axis=-1)
    s = jnp.concatenate([sin_ref[...]] * H, axis=-1)
    q = jnp.dot(xn, wq_ref[...].astype(bf), preferred_element_type=jnp.float32)
    qr = jnp.dot(xn, wqr_ref[...].astype(bf), preferred_element_type=jnp.float32)
    k = jnp.dot(xn, wk_ref[...].astype(bf), preferred_element_type=jnp.float32)
    kr = jnp.dot(xn, wkr_ref[...].astype(bf), preferred_element_type=jnp.float32)
    v = jnp.dot(xn, wv_ref[...].astype(bf), preferred_element_type=jnp.float32)
    qf = ((q * c + qr * s) * INV_SQRT_DH).astype(bf)
    kf = (k * c + kr * s).astype(bf)
    for h in range(H):
        b = h * DH
        q_ref[h] = qf[:, b:b + DH]
        k_ref[h] = kf[:, b:b + DH]
        v_ref[h] = v[:, b:b + DH].astype(bf)


BQ = 512
NQ = S // BQ


def _k2_body(q_ref, k_ref, v_ref, o_ref):
    i = pl.program_id(1)
    q = q_ref[0]

    def chunk(j, carry, bias):
        l, acc = carry
        k = k_ref[0, pl.ds(j * BQ, BQ), :]
        v = v_ref[0, pl.ds(j * BQ, BQ), :]
        s = jax.lax.dot_general(q, k, (((1,), (1,)), ((), ())),
                                preferred_element_type=jnp.float32)
        if bias is not None:
            s = s + bias
        p = jnp.exp(s.astype(jnp.bfloat16))
        l = l + jnp.sum(p, axis=-1, keepdims=True, dtype=jnp.float32)
        acc = acc + jnp.dot(p, v, preferred_element_type=jnp.float32)
        return l, acc

    l0 = jnp.zeros((BQ, 1), jnp.float32)
    a0 = jnp.zeros((BQ, DH), jnp.float32)
    l, acc = jax.lax.fori_loop(0, i, lambda j, c: chunk(j, c, None), (l0, a0))
    riota = jax.lax.broadcasted_iota(jnp.int32, (BQ, BQ), 0)
    ciota = jax.lax.broadcasted_iota(jnp.int32, (BQ, BQ), 1)
    dbias = jnp.where(ciota <= riota, 0.0, -1e9).astype(jnp.float32)
    l, acc = chunk(i, (l, acc), dbias)
    o_ref[0] = (acc / l).astype(jnp.bfloat16)


def _k3_body(o_ref, x_ref, wo_ref, w2_ref, wr_ref, h_ref, xn_ref, lg_ref):
    o = jnp.concatenate([o_ref[h] for h in range(H)], axis=-1)
    h = jnp.dot(o, wo_ref[...].astype(jnp.bfloat16),
                preferred_element_type=jnp.float32) + x_ref[...]
    h_ref[...] = h
    ms = jnp.mean(h * h, axis=-1, keepdims=True)
    xn = h * jax.lax.rsqrt(ms + EPS) * w2_ref[...]
    xn_ref[...] = xn.astype(jnp.bfloat16)
    lg_ref[...] = jnp.dot(xn, wr_ref[...], preferred_element_type=jnp.float32)


def _k4_body(lg_ref, slot_ref, slotc_ref, gate_ref):
    lg = lg_ref[...]
    m = jnp.max(lg, axis=-1, keepdims=True)
    p = jnp.exp(lg - m)
    probs = p / jnp.sum(p, axis=-1, keepdims=True)
    gate = jnp.max(probs, axis=-1, keepdims=True)
    eiota = jax.lax.broadcasted_iota(jnp.int32, (S, E), 1)
    cand = jnp.where(lg == m, eiota, jnp.int32(E))
    eidx = jnp.min(cand, axis=-1, keepdims=True)
    onehot = (eiota == eidx).astype(jnp.float32)
    c = onehot
    sh = 1
    while sh < S:
        c = c + jnp.concatenate(
            [jnp.zeros((sh, E), jnp.float32), c[: S - sh, :]], axis=0)
        sh *= 2
    pos = jnp.sum(c * onehot, axis=-1, keepdims=True) - 1.0
    keep = pos < CAP
    slot = eidx * CAP + pos.astype(jnp.int32)
    slot_ref[...] = jnp.where(keep, slot, jnp.int32(-1))
    slotc_ref[...] = jnp.where(keep, slot, jnp.int32(0))
    gate_ref[...] = jnp.where(keep, gate, 0.0)


def _k6_body(slot_ref, xn_ref, w1_ref, w2_ref, out_ref):
    e = pl.program_id(0)
    bf = jnp.bfloat16
    slot = slot_ref[...]
    si = jax.lax.broadcasted_iota(jnp.int32, (S, CAP), 1) + e * CAP
    m = (slot == si).astype(bf)
    ein = jax.lax.dot_general(
        m, xn_ref[...], (((0,), (0,)), ((), ())),
        preferred_element_type=jnp.float32).astype(bf)
    a = jnp.dot(ein, w1_ref[0].astype(bf), preferred_element_type=jnp.float32)
    h1 = jax.nn.gelu(a).astype(bf)
    out_ref[...] = jnp.dot(h1, w2_ref[0].astype(bf),
                           preferred_element_type=jnp.float32)


def _k7_body(h_ref, gate_ref, g_ref, out_ref):
    out_ref[...] = h_ref[...] + gate_ref[...] * g_ref[...]


_NC, _NS = 2, 16
_NW = _NC * _NS
_BPW = S // _NW


def _sc_gather(table, idx):
    mesh = plsc.VectorSubcoreMesh(core_axis_name="c", subcore_axis_name="s")

    @functools.partial(
        pl.kernel, mesh=mesh,
        out_type=jax.ShapeDtypeStruct((S, D), jnp.float32),
        scratch_types=[pltpu.VMEM((_BPW,), jnp.int32),
                       pltpu.VMEM((_BPW, D), jnp.float32),
                       pltpu.SemaphoreType.DMA],
    )
    def k(table_hbm, idx_hbm, out_hbm, idx_v, rows_v, sem):
        wid = lax.axis_index("s") * _NC + lax.axis_index("c")
        base = wid * _BPW
        pltpu.sync_copy(idx_hbm.at[pl.ds(base, _BPW)], idx_v)
        pltpu.async_copy(table_hbm.at[idx_v], rows_v, sem).wait()
        pltpu.sync_copy(rows_v, out_hbm.at[pl.ds(base, _BPW)])

    return k(table, idx)


def kernel(x, rms1_w, Wq, Wk, Wv, Wo, rms2_w, Wr, W1, W2):
    xf = x.reshape(S, D)
    f32 = jnp.float32

    inv_freq = 1.0 / (10000.0 ** (jnp.arange(0, DH, 2, dtype=f32) / DH))
    t = jnp.arange(S, dtype=f32)
    freqs = jnp.outer(t, inv_freq)
    cos2 = jnp.concatenate([jnp.cos(freqs)] * 2, axis=-1)
    sin2 = jnp.concatenate([jnp.sin(freqs)] * 2, axis=-1)
    Wq4 = Wq.reshape(D, H, 2, HALF)
    Wk4 = Wk.reshape(D, H, 2, HALF)
    Wq_r = jnp.concatenate([-Wq4[:, :, 1], Wq4[:, :, 0]], axis=2).reshape(D, D)
    Wk_r = jnp.concatenate([-Wk4[:, :, 1], Wk4[:, :, 0]], axis=2).reshape(D, D)

    bs_tok = pl.BlockSpec((BT, D), lambda i: (i, 0))
    bs_full = pl.BlockSpec((D, D), lambda i: (0, 0))
    bs_row = pl.BlockSpec((1, D), lambda i: (0, 0))
    bs_h3 = pl.BlockSpec((H, BT, DH), lambda i: (0, i, 0))
    bs_cs = pl.BlockSpec((BT, DH), lambda i: (i, 0))

    q3, k3, v3 = pl.pallas_call(
        _k1_body,
        grid=(NT,),
        in_specs=[bs_tok, bs_row, bs_full, bs_full, bs_full, bs_full,
                  bs_full, bs_cs, bs_cs],
        out_specs=[bs_h3, bs_h3, bs_h3],
        out_shape=[jax.ShapeDtypeStruct((H, S, DH), jnp.bfloat16)] * 3,
    )(xf, rms1_w.reshape(1, D), Wq, Wk, Wv, Wq_r, Wk_r, cos2, sin2)

    bs_q = pl.BlockSpec((1, BQ, DH), lambda h, i: (h, i, 0))
    bs_kv = pl.BlockSpec((1, S, DH), lambda h, i: (h, 0, 0))
    o3 = pl.pallas_call(
        _k2_body,
        grid=(H, NQ),
        in_specs=[bs_q, bs_kv, bs_kv],
        out_specs=bs_q,
        out_shape=jax.ShapeDtypeStruct((H, S, DH), jnp.bfloat16),
    )(q3, k3, v3)

    bs_wr = pl.BlockSpec((D, E), lambda i: (0, 0))
    bs_lg = pl.BlockSpec((BT, E), lambda i: (i, 0))
    h, xn2, logits = pl.pallas_call(
        _k3_body,
        grid=(NT,),
        in_specs=[bs_h3, bs_tok, bs_full, bs_row, bs_wr],
        out_specs=[bs_tok, bs_tok, bs_lg],
        out_shape=[jax.ShapeDtypeStruct((S, D), f32),
                   jax.ShapeDtypeStruct((S, D), jnp.bfloat16),
                   jax.ShapeDtypeStruct((S, E), f32)],
    )(o3, xf, Wo, rms2_w.reshape(1, D), Wr)

    slot, slotc, gate = pl.pallas_call(
        _k4_body,
        out_shape=[jax.ShapeDtypeStruct((S, 1), jnp.int32),
                   jax.ShapeDtypeStruct((S, 1), jnp.int32),
                   jax.ShapeDtypeStruct((S, 1), f32)],
    )(logits)

    hf = pl.pallas_call(
        _k6_body,
        grid=(E,),
        in_specs=[pl.BlockSpec((S, 1), lambda e: (0, 0)),
                  pl.BlockSpec((S, D), lambda e: (0, 0)),
                  pl.BlockSpec((1, D, DFF), lambda e: (e, 0, 0)),
                  pl.BlockSpec((1, DFF, D), lambda e: (e, 0, 0))],
        out_specs=pl.BlockSpec((CAP, D), lambda e: (e, 0)),
        out_shape=jax.ShapeDtypeStruct((E * CAP, D), f32),
    )(slot, xn2, W1, W2)

    g = _sc_gather(hf, slotc.reshape(S))

    out = pl.pallas_call(
        _k7_body,
        grid=(NT,),
        in_specs=[bs_tok,
                  pl.BlockSpec((BT, 1), lambda i: (i, 0)),
                  bs_tok],
        out_specs=bs_tok,
        out_shape=jax.ShapeDtypeStruct((S, D), f32),
    )(h, gate, g)

    return out.reshape(B, S, D)

# --- scband reference (transcript-rebuilt; emitter-appended) ---
"""Pipeline reference for scband-moe-reg-block-15831249453472 (READ-ONLY COPY).

The authoritative reference and input builder live on the scoring server;
editing this copy changes nothing except your own understanding.
"""

import jax, jax.numpy as jnp
import numpy as np

B, S, D, H, E = 1, 2048, 768, 12, 8
DH = D // H
DFF = 2 * D
CAP = (B * S) // E
EPS = 1e-6


def setup_inputs(seed: int = 0) -> dict:
    key = jax.random.key(seed)
    ks = jax.random.split(key, 10)
    s = 0.02
    return {
        "x": jax.random.normal(ks[0], (B, S, D), dtype=jnp.float32),
        "rms1_w": jnp.ones((D,), dtype=jnp.float32),
        "Wq": jax.random.normal(ks[1], (D, D), dtype=jnp.float32) * s,
        "Wk": jax.random.normal(ks[2], (D, D), dtype=jnp.float32) * s,
        "Wv": jax.random.normal(ks[3], (D, D), dtype=jnp.float32) * s,
        "Wo": jax.random.normal(ks[4], (D, D), dtype=jnp.float32) * s,
        "rms2_w": jnp.ones((D,), dtype=jnp.float32),
        "Wr": jax.random.normal(ks[5], (D, E), dtype=jnp.float32) * s,
        "W1": jax.random.normal(ks[6], (E, D, DFF), dtype=jnp.float32) * s,
        "W2": jax.random.normal(ks[7], (E, DFF, D), dtype=jnp.float32) * s,
    }


def _rmsnorm(x, w):
    return x * jax.lax.rsqrt(jnp.mean(x * x, axis=-1, keepdims=True) + EPS) * w


def _rope(x, cos, sin):
    # x: [B, H, S, DH]; cos/sin: [S, DH//2]
    x1 = x[..., : DH // 2]
    x2 = x[..., DH // 2 :]
    c = cos[None, None, :, :]
    s_ = sin[None, None, :, :]
    return jnp.concatenate([x1 * c - x2 * s_, x1 * s_ + x2 * c], axis=-1)


def _attn(x, Wq, Wk, Wv, Wo):
    q = (x @ Wq).reshape(B, S, H, DH).transpose(0, 2, 1, 3)
    k = (x @ Wk).reshape(B, S, H, DH).transpose(0, 2, 1, 3)
    v = (x @ Wv).reshape(B, S, H, DH).transpose(0, 2, 1, 3)
    inv_freq = 1.0 / (10000.0 ** (jnp.arange(0, DH, 2, dtype=jnp.float32) / DH))
    t = jnp.arange(S, dtype=jnp.float32)
    freqs = jnp.outer(t, inv_freq)
    cos, sin = jnp.cos(freqs), jnp.sin(freqs)
    q = _rope(q, cos, sin)
    k = _rope(k, cos, sin)
    scores = jnp.einsum("bhqd,bhkd->bhqk", q, k) / jnp.sqrt(jnp.float32(DH))
    mask = jnp.tril(jnp.ones((S, S), dtype=bool))
    scores = jnp.where(mask[None, None, :, :], scores, jnp.float32(-1e9))
    p = jax.nn.softmax(scores, axis=-1)
    o = jnp.einsum("bhqk,bhkd->bhqd", p, v)
    o = o.transpose(0, 2, 1, 3).reshape(B, S, D)
    return o @ Wo


def _moe(x, Wr, W1, W2):
    # top-1 switch-style routing with fixed capacity
    xf = x.reshape(B * S, D)
    logits = xf @ Wr                      # [T, E]
    probs = jax.nn.softmax(logits, axis=-1)
    gate = jnp.max(probs, axis=-1)        # [T]
    eidx = jnp.argmax(probs, axis=-1)     # [T]
    onehot = jax.nn.one_hot(eidx, E, dtype=jnp.float32)   # [T, E]
    pos = jnp.sum((jnp.cumsum(onehot, axis=0) - 1.0) * onehot, axis=-1)  # [T]
    keep = (pos < CAP).astype(jnp.float32)
    poshot = jax.nn.one_hot(pos.astype(jnp.int32), CAP, dtype=jnp.float32)  # [T, CAP]
    dispatch = onehot[:, :, None] * poshot[:, None, :] * keep[:, None, None]  # [T, E, CAP]
    expert_in = jnp.einsum("tec,td->ecd", dispatch, xf)    # [E, CAP, D]
    h = jax.nn.gelu(jnp.einsum("ecd,edf->ecf", expert_in, W1))
    h = jnp.einsum("ecf,efd->ecd", h, W2)
    combine = dispatch * gate[:, None, None]
    out = jnp.einsum("tec,ecd->td", combine, h)
    return out.reshape(B, S, D)


def reference(x, rms1_w, Wq, Wk, Wv, Wo, rms2_w, Wr, W1, W2):
    h = x + _attn(_rmsnorm(x, rms1_w), Wq, Wk, Wv, Wo)
    out = h + _moe(_rmsnorm(h, rms2_w), Wr, W1, W2)
    return out

if __name__ == "__main__":
    import jax
    _d = setup_inputs()
    print(jax.jit(kernel)(*tuple(_d.values())))

</pallas_src>

<mosaic_0001>
#map = affine_map<(d0, d1) -> (0, 0)>
#map1 = affine_map<(d0, d1) -> (0)>
module attributes {stable_mosaic.version = 14 : i64} {
  func.func @k(%arg0: i32, %arg1: i32, %arg2: memref<2048x768xf32, #tpu.memory_space<hbm>>, %arg3: memref<2048xi32, #tpu.memory_space<hbm>>, %arg4: memref<2048x768xf32, #tpu.memory_space<hbm>>, %arg5: memref<64xi32, #tpu.memory_space<vmem>>, %arg6: memref<64x768xf32, #tpu.memory_space<vmem>>, %arg7: memref<!tpu.dma_semaphore, #tpu.memory_space<semaphore_mem>>) attributes {dimension_semantics = [#tpu.dimension_semantics<core_parallel>, #tpu.dimension_semantics<subcore_parallel>], iteration_bounds = array<i64: 2, 16>, scalar_prefetch = 0 : i64, scratch_operands = 3 : i64, tpu.core_type = #tpu.core_type<sc_vector_subcore>, window_params = [{transform_indices = #map}, {transform_indices = #map1}, {transform_indices = #map}]} {
    %mul3A = arith.constant 2 : i32
    %mul3A_0 = arith.muli %arg1, %mul3A : i32
    %add3A = arith.addi %mul3A_0, %arg0 : i32
    %mul3A_1 = arith.constant 64 : i32
    %mul3A_2 = arith.muli %add3A, %mul3A_1 : i32
    "tpu.region"() ({
      %run_scoped3A = tpu.sem_alloc : memref<!tpu.dma_semaphore, #tpu.memory_space<semaphore_mem>>
      %dma_start3A_7 = tpu.memref_slice %arg3[%mul3A_2] : memref<2048xi32, #tpu.memory_space<hbm>> -> memref<64xi32, #tpu.memory_space<hbm>>
      %dma_start3A_8 = tpu.memref_slice %arg3[%mul3A_2] : memref<2048xi32, #tpu.memory_space<hbm>> -> memref<64xi32, #tpu.memory_space<hbm>>
      tpu.enqueue_dma source(%dma_start3A_8 : memref<64xi32, #tpu.memory_space<hbm>>) target(%arg5 : memref<64xi32, #tpu.memory_space<vmem>>) target_semaphore(%run_scoped3A : memref<!tpu.dma_semaphore, #tpu.memory_space<semaphore_mem>>)
      %dma_wait3A_9 = tpu.memref_slice %arg3[%mul3A_2] : memref<2048xi32, #tpu.memory_space<hbm>> -> memref<64xi32, #tpu.memory_space<hbm>>
      %dma_wait3A_10 = tpu.memref_slice %arg3[%mul3A_2] : memref<2048xi32, #tpu.memory_space<hbm>> -> memref<64xi32, #tpu.memory_space<hbm>>
      tpu.wait_dma2 semaphore(%run_scoped3A : memref<!tpu.dma_semaphore, #tpu.memory_space<semaphore_mem>>) src(%dma_wait3A_10 : memref<64xi32, #tpu.memory_space<hbm>>) dst(%arg5 : memref<64xi32, #tpu.memory_space<vmem>>)
      tpu.yield
    }) : () -> ()
    %dma_start3A = arith.constant 0 : i32
    %dma_start3A_3 = arith.constant 0 : i32
    %dma_start3A_4 = tpu.memref_slice %arg2[%dma_start3A, %dma_start3A_3] : memref<2048x768xf32, #tpu.memory_space<hbm>> -> memref<2048x768xf32, #tpu.memory_space<hbm>>
    tpu.enqueue_indirect_dma source(%dma_start3A_4 : memref<2048x768xf32, #tpu.memory_space<hbm>>) target(%arg6 : memref<64x768xf32, #tpu.memory_space<vmem>>) offsets(%arg5 : memref<64xi32, #tpu.memory_space<vmem>>) semaphore(%arg7 : memref<!tpu.dma_semaphore, #tpu.memory_space<semaphore_mem>>)
    %dma_wait3A = arith.constant 0 : i32
    %dma_wait3A_5 = arith.constant 0 : i32
    %dma_wait3A_6 = tpu.memref_slice %arg2[%dma_wait3A, %dma_wait3A_5] : memref<2048x768xf32, #tpu.memory_space<hbm>> -> memref<2048x768xf32, #tpu.memory_space<hbm>>
    tpu.wait_indirect_dma semaphore(%arg7 : memref<!tpu.dma_semaphore, #tpu.memory_space<semaphore_mem>>) src(%dma_wait3A_6 : memref<2048x768xf32, #tpu.memory_space<hbm>>) dst(%arg6 : memref<64x768xf32, #tpu.memory_space<vmem>>)
    "tpu.region"() ({
      %run_scoped3A = tpu.sem_alloc : memref<!tpu.dma_semaphore, #tpu.memory_space<semaphore_mem>>
      %dma_start3A_7 = arith.constant 0 : i32
      %dma_start3A_8 = tpu.memref_slice %arg4[%mul3A_2, %dma_start3A_7] : memref<2048x768xf32, #tpu.memory_space<hbm>> -> memref<64x768xf32, #tpu.memory_space<hbm>>
      %dma_start3A_9 = arith.constant 0 : i32
      %dma_start3A_10 = tpu.memref_slice %arg4[%mul3A_2, %dma_start3A_9] : memref<2048x768xf32, #tpu.memory_space<hbm>> -> memref<64x768xf32, #tpu.memory_space<hbm>>
      tpu.enqueue_dma source(%arg6 : memref<64x768xf32, #tpu.memory_space<vmem>>) target(%dma_start3A_10 : memref<64x768xf32, #tpu.memory_space<hbm>>) target_semaphore(%run_scoped3A : memref<!tpu.dma_semaphore, #tpu.memory_space<semaphore_mem>>)
      %dma_wait3A_11 = arith.constant 0 : i32
      %dma_wait3A_12 = tpu.memref_slice %arg4[%mul3A_2, %dma_wait3A_11] : memref<2048x768xf32, #tpu.memory_space<hbm>> -> memref<64x768xf32, #tpu.memory_space<hbm>>
      %dma_wait3A_13 = arith.constant 0 : i32
      %dma_wait3A_14 = tpu.memref_slice %arg4[%mul3A_2, %dma_wait3A_13] : memref<2048x768xf32, #tpu.memory_space<hbm>> -> memref<64x768xf32, #tpu.memory_space<hbm>>
      tpu.wait_dma2 semaphore(%run_scoped3A : memref<!tpu.dma_semaphore, #tpu.memory_space<semaphore_mem>>) src(%arg6 : memref<64x768xf32, #tpu.memory_space<vmem>>) dst(%dma_wait3A_14 : memref<64x768xf32, #tpu.memory_space<hbm>>)
      tpu.yield
    }) : () -> ()
    return
  }
}

module attributes {stable_mosaic.version = 14 : i64} {
  func.func @_k1_body(%arg0: i32, %arg1: memref<512x768xf32, #tpu.memory_space<vmem>>, %arg2: memref<1x768xf32, #tpu.memory_space<vmem>>, %arg3: memref<768x768xf32, #tpu.memory_space<vmem>>, %arg4: memref<768x768xf32, #tpu.memory_space<vmem>>, %arg5: memref<768x768xf32, #tpu.memory_space<vmem>>, %arg6: memref<768x768xf32, #tpu.memory_space<vmem>>, %arg7: memref<768x768xf32, #tpu.memory_space<vmem>>, %arg8: memref<512x64xf32, #tpu.memory_space<vmem>>, %arg9: memref<512x64xf32, #tpu.memory_space<vmem>>, %arg10: memref<12x512x64xbf16, #tpu.memory_space<vmem>>, %arg11: memref<12x512x64xbf16, #tpu.memory_space<vmem>>, %arg12: memref<12x512x64xbf16, #tpu.memory_space<vmem>>) attributes {dimension_semantics = [#tpu.dimension_semantics<arbitrary>], iteration_bounds = array<i64: 4>, scalar_prefetch = 0 : i64, scratch_operands = 0 : i64, tpu.core_type = #tpu.core_type<tc>, window_params = [{transform_indices = @transform_0, window_bounds = array<i64: 512, 768>}, {pipeline_mode = #tpu.pipeline_mode<synchronous>, transform_indices = @transform_1, window_bounds = array<i64: 1, 768>}, {pipeline_mode = #tpu.pipeline_mode<synchronous>, transform_indices = @transform_2, window_bounds = array<i64: 768, 768>}, {pipeline_mode = #tpu.pipeline_mode<synchronous>, transform_indices = @transform_3, window_bounds = array<i64: 768, 768>}, {pipeline_mode = #tpu.pipeline_mode<synchronous>, transform_indices = @transform_4, window_bounds = array<i64: 768, 768>}, {pipeline_mode = #tpu.pipeline_mode<synchronous>, transform_indices = @transform_5, window_bounds = array<i64: 768, 768>}, {pipeline_mode = #tpu.pipeline_mode<synchronous>, transform_indices = @transform_6, window_bounds = array<i64: 768, 768>}, {transform_indices = @transform_7, window_bounds = array<i64: 512, 64>}, {transform_indices = @transform_8, window_bounds = array<i64: 512, 64>}, {transform_indices = @transform_9, window_bounds = array<i64: 12, 512, 64>}, {transform_indices = @transform_10, window_bounds = array<i64: 12, 512, 64>}, {transform_indices = @transform_11, window_bounds = array<i64: 12, 512, 64>}]} {
    %get3A = arith.constant 0 : index
    %get3A_0 = arith.constant 0 : index
    %get3A_1 = vector.load %arg1[%get3A, %get3A_0] : memref<512x768xf32, #tpu.memory_space<vmem>>, vector<512x768xf32>
    %mul3A = arith.mulf %get3A_1, %get3A_1 : vector<512x768xf32>
    %reduce_sum3A = arith.constant dense<0.000000e+00> : vector<512xf32>
    %reduce_sum3A_2 = vector.multi_reduction <add>, %mul3A, %reduce_sum3A [1] : vector<512x768xf32> to vector<512xf32>
    %broadcast_in_dim3A = vector.shape_cast %reduce_sum3A_2 : vector<512xf32> to vector<512x1xf32>
    %div3A = arith.constant 7.680000e+02 : f32
    %div3A_3 = vector.broadcast %div3A : f32 to vector<512x1xf32>
    %div3A_4 = arith.divf %broadcast_in_dim3A, %div3A_3 : vector<512x1xf32>
    %add3A = arith.constant 9.99999997E-7 : f32
    %add3A_5 = vector.broadcast %add3A : f32 to vector<512x1xf32>
    %add3A_6 = arith.addf %div3A_4, %add3A_5 : vector<512x1xf32>
    %rsqrt3A = math.rsqrt %add3A_6 : vector<512x1xf32>
    %mul3A_7 = vector.broadcast %rsqrt3A : vector<512x1xf32> to vector<512x768xf32>
    %mul3A_8 = arith.mulf %get3A_1, %mul3A_7 : vector<512x768xf32>
    %get3A_9 = arith.constant 0 : index
    %get3A_10 = arith.constant 0 : index
    %get3A_11 = vector.load %arg2[%get3A_9, %get3A_10] : memref<1x768xf32, #tpu.memory_space<vmem>>, vector<1x768xf32>
    %mul3A_12 = vector.broadcast %get3A_11 : vector<1x768xf32> to vector<512x768xf32>
    %mul3A_13 = arith.mulf %mul3A_8, %mul3A_12 : vector<512x768xf32>
    %convert_element_type3A = arith.truncf %mul3A_13 : vector<512x768xf32> to vector<512x768xbf16>
    %get3A_14 = arith.constant 0 : index
    %get3A_15 = arith.constant 0 : index
    %get3A_16 = vector.load %arg8[%get3A_14, %get3A_15] : memref<512x64xf32, #tpu.memory_space<vmem>>, vector<512x64xf32>
    %concatenate3A = tpu.concatenate %get3A_16, %get3A_16, %get3A_16, %get3A_16, %get3A_16, %get3A_16, %get3A_16, %get3A_16, %get3A_16, %get3A_16, %get3A_16, %get3A_16 in 1 : vector<512x64xf32>, vector<512x64xf32>, vector<512x64xf32>, vector<512x64xf32>, vector<512x64xf32>, vector<512x64xf32>, vector<512x64xf32>, vector<512x64xf32>, vector<512x64xf32>, vector<512x64xf32>, vector<512x64xf32>, vector<512x64xf32> -> vector<512x768xf32>
    %get3A_17 = arith.constant 0 : index
    %get3A_18 = arith.constant 0 : index
    %get3A_19 = vector.load %arg9[%get3A_17, %get3A_18] : memref<512x64xf32, #tpu.memory_space<vmem>>, vector<512x64xf32>
    %concatenate3A_20 = tpu.concatenate %get3A_19, %get3A_19, %get3A_19, %get3A_19, %get3A_19, %get3A_19, %get3A_19, %get3A_19, %get3A_19, %get3A_19, %get3A_19, %get3A_19 in 1 : vector<512x64xf32>, vector<512x64xf32>, vector<512x64xf32>, vector<512x64xf32>, vector<512x64xf32>, vector<512x64xf32>, vector<512x64xf32>, vector<512x64xf32>, vector<512x64xf32>, vector<512x64xf32>, vector<512x64xf32>, vector<512x64xf32> -> vector<512x768xf32>
    %get3A_21 = arith.constant 0 : index
    %get3A_22 = arith.constant 0 : index
    %get3A_23 = vector.load %arg3[%get3A_21, %get3A_22] : memref<768x768xf32, #tpu.memory_space<vmem>>, vector<768x768xf32>
    %convert_element_type3A_24 = arith.truncf %get3A_23 : vector<768x768xf32> to vector<768x768xbf16>
    %dot_general3A = arith.constant dense<0.000000e+00> : vector<512x768xf32>
    %dot_general3A_25 = tpu.matmul %convert_element_type3A, %convert_element_type3A_24, %dot_general3A {dimension_numbers = #tpu.dot_dimension_numbers<[1], [0], [0], [1], [0, 0, 1, 1], [], []>, transpose_lhs_hint = false} : vector<512x768xbf16>, vector<768x768xbf16>, vector<512x768xf32> -> vector<512x768xf32>
    %get3A_26 = arith.constant 0 : index
    %get3A_27 = arith.constant 0 : index
    %get3A_28 = vector.load %arg6[%get3A_26, %get3A_27] : memref<768x768xf32, #tpu.memory_space<vmem>>, vector<768x768xf32>
    %convert_element_type3A_29 = arith.truncf %get3A_28 : vector<768x768xf32> to vector<768x768xbf16>
    %dot_general3A_30 = arith.constant dense<0.000000e+00> : vector<512x768xf32>
    %dot_general3A_31 = tpu.matmul %convert_element_type3A, %convert_element_type3A_29, %dot_general3A_30 {dimension_numbers = #tpu.dot_dimension_numbers<[1], [0], [0], [1], [0, 0, 1, 1], [], []>, transpose_lhs_hint = false} : vector<512x768xbf16>, vector<768x768xbf16>, vector<512x768xf32> -> vector<512x768xf32>
    %get3A_32 = arith.constant 0 : index
    %get3A_33 = arith.constant 0 : index
    %get3A_34 = vector.load %arg4[%get3A_32, %get3A_33] : memref<768x768xf32, #tpu.memory_space<vmem>>, vector<768x768xf32>
    %convert_element_type3A_35 = arith.truncf %get3A_34 : vector<768x768xf32> to vector<768x768xbf16>
    %dot_general3A_36 = arith.constant dense<0.000000e+00> : vector<512x768xf32>
    %dot_general3A_37 = tpu.matmul %convert_element_type3A, %convert_element_type3A_35, %dot_general3A_36 {dimension_numbers = #tpu.dot_dimension_numbers<[1], [0], [0], [1], [0, 0, 1, 1], [], []>, transpose_lhs_hint = false} : vector<512x768xbf16>, vector<768x768xbf16>, vector<512x768xf32> -> vector<512x768xf32>
    %get3A_38 = arith.constant 0 : index
    %get3A_39 = arith.constant 0 : index
    %get3A_40 = vector.load %arg7[%get3A_38, %get3A_39] : memref<768x768xf32, #tpu.memory_space<vmem>>, vector<768x768xf32>
    %convert_element_type3A_41 = arith.truncf %get3A_40 : vector<768x768xf32> to vector<768x768xbf16>
    %dot_general3A_42 = arith.constant dense<0.000000e+00> : vector<512x768xf32>
    %dot_general3A_43 = tpu.matmul %convert_element_type3A, %convert_element_type3A_41, %dot_general3A_42 {dimension_numbers = #tpu.dot_dimension_numbers<[1], [0], [0], [1], [0, 0, 1, 1], [], []>, transpose_lhs_hint = false} : vector<512x768xbf16>, vector<768x768xbf16>, vector<512x768xf32> -> vector<512x768xf32>
    %get3A_44 = arith.constant 0 : index
    %get3A_45 = arith.constant 0 : index
    %get3A_46 = vector.load %arg5[%get3A_44, %get3A_45] : memref<768x768xf32, #tpu.memory_space<vmem>>, vector<768x768xf32>
    %convert_element_type3A_47 = arith.truncf %get3A_46 : vector<768x768xf32> to vector<768x768xbf16>
    %dot_general3A_48 = arith.constant dense<0.000000e+00> : vector<512x768xf32>
    %dot_general3A_49 = tpu.matmul %convert_element_type3A, %convert_element_type3A_47, %dot_general3A_48 {dimension_numbers = #tpu.dot_dimension_numbers<[1], [0], [0], [1], [0, 0, 1, 1], [], []>, transpose_lhs_hint = false} : vector<512x768xbf16>, vector<768x768xbf16>, vector<512x768xf32> -> vector<512x768xf32>
    %mul3A_50 = arith.mulf %dot_general3A_25, %concatenate3A : vector<512x768xf32>
    %mul3A_51 = arith.mulf %dot_general3A_31, %concatenate3A_20 : vector<512x768xf32>
    %add3A_52 = arith.addf %mul3A_50, %mul3A_51 : vector<512x768xf32>
    %mul3A_53 = arith.constant 1.250000e-01 : f32
    %mul3A_54 = vector.broadcast %mul3A_53 : f32 to vector<512x768xf32>
    %mul3A_55 = arith.mulf %add3A_52, %mul3A_54 : vector<512x768xf32>
    %convert_element_type3A_56 = arith.truncf %mul3A_55 : vector<512x768xf32> to vector<512x768xbf16>
    %mul3A_57 = arith.mulf %dot_general3A_37, %concatenate3A : vector<512x768xf32>
    %mul3A_58 = arith.mulf %dot_general3A_43, %concatenate3A_20 : vector<512x768xf32>
    %add3A_59 = arith.addf %mul3A_57, %mul3A_58 : vector<512x768xf32>
    %convert_element_type3A_60 = arith.truncf %add3A_59 : vector<512x768xf32> to vector<512x768xbf16>
    %slice3A = vector.extract_strided_slice %convert_element_type3A_56 {offsets = [0, 0], sizes = [512, 64], strides = [1, 1]} : vector<512x768xbf16> to vector<512x64xbf16>
    %swap3A = arith.constant 0 : index
    %swap3A_61 = arith.constant 0 : index
    %swap3A_62 = arith.constant 0 : index
    %swap3A_63 = vector.load %arg10[%swap3A, %swap3A_61, %swap3A_62] : memref<12x512x64xbf16, #tpu.memory_space<vmem>>, vector<1x512x64xbf16>
    %swap3A_64 = vector.shape_cast %swap3A_63 : vector<1x512x64xbf16> to vector<512x64xbf16>
    %swap3A_65 = vector.shape_cast %slice3A : vector<512x64xbf16> to vector<1x512x64xbf16>
    tpu.vector_store %arg10[%swap3A, %swap3A_61, %swap3A_62], %swap3A_65 {strides = array<i32>} : memref<12x512x64xbf16, #tpu.memory_space<vmem>>, vector<1x512x64xbf16>,
    %slice3A_66 = vector.extract_strided_slice %convert_element_type3A_60 {offsets = [0, 0], sizes = [512, 64], strides = [1, 1]} : vector<512x768xbf16> to vector<512x64xbf16>
    %swap3A_67 = arith.constant 0 : index
    %swap3A_68 = arith.constant 0 : index
    %swap3A_69 = arith.constant 0 : index
    %swap3A_70 = vector.load %arg11[%swap3A_67, %swap3A_68, %swap3A_69] : memref<12x512x64xbf16, #tpu.memory_space<vmem>>, vector<1x512x64xbf16>
    %swap3A_71 = vector.shape_cast %swap3A_70 : vector<1x512x64xbf16> to vector<512x64xbf16>
    %swap3A_72 = vector.shape_cast %slice3A_66 : vector<512x64xbf16> to vector<1x512x64xbf16>
    tpu.vector_store %arg11[%swap3A_67, %swap3A_68, %swap3A_69], %swap3A_72 {strides = array<i32>} : memref<12x512x64xbf16, #tpu.memory_space<vmem>>, vector<1x512x64xbf16>,
    %slice3A_73 = vector.extract_strided_slice %dot_general3A_49 {offsets = [0, 0], sizes = [512, 64], strides = [1, 1]} : vector<512x768xf32> to vector<512x64xf32>
    %convert_element_type3A_74 = arith.truncf %slice3A_73 : vector<512x64xf32> to vector<512x64xbf16>
    %swap3A_75 = arith.constant 0 : index
    %swap3A_76 = arith.constant 0 : index
    %swap3A_77 = arith.constant 0 : index
    %swap3A_78 = vector.load %arg12[%swap3A_75, %swap3A_76, %swap3A_77] : memref<12x512x64xbf16, #tpu.memory_space<vmem>>, vector<1x512x64xbf16>
    %swap3A_79 = vector.shape_cast %swap3A_78 : vector<1x512x64xbf16> to vector<512x64xbf16>
    %swap3A_80 = vector.shape_cast %convert_element_type3A_74 : vector<512x64xbf16> to vector<1x512x64xbf16>
    tpu.vector_store %arg12[%swap3A_75, %swap3A_76, %swap3A_77], %swap3A_80 {strides = array<i32>} : memref<12x512x64xbf16, #tpu.memory_space<vmem>>, vector<1x512x64xbf16>,
    %slice3A_81 = vector.extract_strided_slice %convert_element_type3A_56 {offsets = [0, 64], sizes = [512, 64], strides = [1, 1]} : vector<512x768xbf16> to vector<512x64xbf16>
    %swap3A_82 = arith.constant 1 : index
    %swap3A_83 = arith.constant 0 : index
    %swap3A_84 = arith.constant 0 : index
    %swap3A_85 = vector.load %arg10[%swap3A_82, %swap3A_83, %swap3A_84] : memref<12x512x64xbf16, #tpu.memory_space<vmem>>, vector<1x512x64xbf16>
    %swap3A_86 = vector.shape_cast %swap3A_85 : vector<1x512x64xbf16> to vector<512x64xbf16>
    %swap3A_87 = vector.shape_cast %slice3A_81 : vector<512x64xbf16> to vector<1x512x64xbf16>
    tpu.vector_store %arg10[%swap3A_82, %swap3A_83, %swap3A_84], %swap3A_87 {strides = array<i32>} : memref<12x512x64xbf16, #tpu.memory_space<vmem>>, vector<1x512x64xbf16>,
    %slice3A_88 = vector.extract_strided_slice %convert_element_type3A_60 {offsets = [0, 64], sizes = [512, 64], strides = [1, 1]} : vector<512x768xbf16> to vector<512x64xbf16>
    %swap3A_89 = arith.constant 1 : index
    %swap3A_90 = arith.constant 0 : index
    %swap3A_91 = arith.constant 0 : index
    %swap3A_92 = vector.load %arg11[%swap3A_89, %swap3A_90, %swap3A_91] : memref<12x512x64xbf16, #tpu.memory_space<vmem>>, vector<1x512x64xbf16>
    %swap3A_93 = vector.shape_cast %swap3A_92 : vector<1x512x64xbf16> to vector<512x64xbf16>
    %swap3A_94 = vector.shape_cast %slice3A_88 : vector<512x64xbf16> to vector<1x512x64xbf16>
    tpu.vector_store %arg11[%swap3A_89, %swap3A_90, %swap3A_91], %swap3A_94 {strides = array<i32>} : memref<12x512x64xbf16, #tpu.memory_space<vmem>>, vector<1x512x64xbf16>,
    %slice3A_95 = vector.extract_strided_slice %dot_general3A_49 {offsets = [0, 64], sizes = [512, 64], strides = [1, 1]} : vector<512x768xf32> to vector<512x64xf32>
    %convert_element_type3A_96 = arith.truncf %slice3A_95 : vector<512x64xf32> to vector<512x64xbf16>
    %swap3A_97 = arith.constant 1 : index
    %swap3A_98 = arith.constant 0 : index
    %swap3A_99 = arith.constant 0 : index
    %swap3A_100 = vector.load %arg12[%swap3A_97, %swap3A_98, %swap3A_99] : memref<12x512x64xbf16, #tpu.memory_space<vmem>>, vector<1x512x64xbf16>
    %swap3A_101 = vector.shape_cast %swap3A_100 : vector<1x512x64xbf16> to vector<512x64xbf16>
    %swap3A_102 = vector.shape_cast %convert_element_type3A_96 : vector<512x64xbf16> to vector<1x512x64xbf16>
    tpu.vector_store %arg12[%swap3A_97, %swap3A_98, %swap3A_99], %swap3A_102 {strides = array<i32>} : memref<12x512x64xbf16, #tpu.memory_space<vmem>>, vector<1x512x64xbf16>,
    %slice3A_103 = vector.extract_strided_slice %convert_element_type3A_56 {offsets = [0, 128], sizes = [512, 64], strides = [1, 1]} : vector<512x768xbf16> to vector<512x64xbf16>
    %swap3A_104 = arith.constant 2 : index
    %swap3A_105 = arith.constant 0 : index
    %swap3A_106 = arith.constant 0 : index
    %swap3A_107 = vector.load %arg10[%swap3A_104, %swap3A_105, %swap3A_106] : memref<12x512x64xbf16, #tpu.memory_space<vmem>>, vector<1x512x64xbf16>
    %swap3A_108 = vector.shape_cast %swap3A_107 : vector<1x512x64xbf16> to vector<512x64xbf16>
    %swap3A_109 = vector.shape_cast %slice3A_103 : vector<512x64xbf16> to vector<1x512x64xbf16>
    tpu.vector_store %arg10[%swap3A_104, %swap3A_105, %swap3A_106], %swap3A_109 {strides = array<i32>} : memref<12x512x64xbf16, #tpu.memory_space<vmem>>, vector<1x512x64xbf16>,
    %slice3A_110 = vector.extract_strided_slice %convert_element_type3A_60 {offsets = [0, 128], sizes = [512, 64], strides = [1, 1]} : vector<512x768xbf16> to vector<512x64xbf16>
    %swap3A_111 = arith.constant 2 : index
    %swap3A_112 = arith.constant 0 : index
    %swap3A_113 = arith.constant 0 : index
    %swap3A_114 = vector.load %arg11[%swap3A_111, %swap3A_112, %swap3A_113] : memref<12x512x64xbf16, #tpu.memory_space<vmem>>, vector<1x512x64xbf16>
    %swap3A_115 = vector.shape_cast %swap3A_114 : vector<1x512x64xbf16> to vector<512x64xbf16>
    %swap3A_116 = vector.shape_cast %slice3A_110 : vector<512x64xbf16> to vector<1x512x64xbf16>
    tpu.vector_store %arg11[%swap3A_111, %swap3A_112, %swap3A_113], %swap3A_116 {strides = array<i32>} : memref<12x512x64xbf16, #tpu.memory_space<vmem>>, vector<1x512x64xbf16>,
    %slice3A_117 = vector.extract_strided_slice %dot_general3A_49 {offsets = [0, 128], sizes = [512, 64], strides = [1, 1]} : vector<512x768xf32> to vector<512x64xf32>
    %convert_element_type3A_118 = arith.truncf %slice3A_117 : vector<512x64xf32> to vector<512x64xbf16>
    %swap3A_119 = arith.constant 2 : index
    %swap3A_120 = arith.constant 0 : index
    %swap3A_121 = arith.constant 0 : index
    %swap3A_122 = vector.load %arg12[%swap3A_119, %swap3A_120, %swap3A_121] : memref<12x512x64xbf16, #tpu.memory_space<vmem>>, vector<1x512x64xbf16>
    %swap3A_123 = vector.shape_cast %swap3A_122 : vector<1x512x64xbf16> to vector<512x64xbf16>
    %swap3A_124 = vector.shape_cast %convert_element_type3A_118 : vector<512x64xbf16> to vector<1x512x64xbf16>
    tpu.vector_store %arg12[%swap3A_119, %swap3A_120, %swap3A_121], %swap3A_124 {strides = array<i32>} : memref<12x512x64xbf16, #tpu.memory_space<vmem>>, vector<1x512x64xbf16>,
    %slice3A_125 = vector.extract_strided_slice %convert_element_type3A_56 {offsets = [0, 192], sizes = [512, 64], strides = [1, 1]} : vector<512x768xbf16> to vector<512x64xbf16>
    %swap3A_126 = arith.constant 3 : index
    %swap3A_127 = arith.constant 0 : index
    %swap3A_128 = arith.constant 0 : index
    %swap3A_129 = vector.load %arg10[%swap3A_126, %swap3A_127, %swap3A_128] : memref<12x512x64xbf16, #tpu.memory_space<vmem>>, vector<1x512x64xbf16>
    %swap3A_130 = vector.shape_cast %swap3A_129 : vector<1x512x64xbf16> to vector<512x64xbf16>
    %swap3A_131 = vector.shape_cast %slice3A_125 : vector<512x64xbf16> to vector<1x512x64xbf16>
    tpu.vector_store %arg10[%swap3A_126, %swap3A_127, %swap3A_128], %swap3A_131 {strides = array<i32>} : memref<12x512x64xbf16, #tpu.memory_space<vmem>>, vector<1x512x64xbf16>,
    %slice3A_132 = vector.extract_strided_slice %convert_element_type3A_60 {offsets = [0, 192], sizes = [512, 64], strides = [1, 1]} : vector<512x768xbf16> to vector<512x64xbf16>
    %swap3A_133 = arith.constant 3 : index
    %swap3A_134 = arith.constant 0 : index
    %swap3A_135 = arith.constant 0 : index
    %swap3A_136 = vector.load %arg11[%swap3A_133, %swap3A_134, %swap3A_135] : memref<12x512x64xbf16, #tpu.memory_space<vmem>>, vector<1x512x64xbf16>
    %swap3A_137 = vector.shape_cast %swap3A_136 : vector<1x512x64xbf16> to vector<512x64xbf16>
    %swap3A_138 = vector.shape_cast %slice3A_132 : vector<512x64xbf16> to vector<1x512x64xbf16>
    tpu.vector_store %arg11[%swap3A_133, %swap3A_134, %swap3A_135], %swap3A_138 {strides = array<i32>} : memref<12x512x64xbf16, #tpu.memory_space<vmem>>, vector<1x512x64xbf16>,
    %slice3A_139 = vector.extract_strided_slice %dot_general3A_49 {offsets = [0, 192], sizes = [512, 64], strides = [1, 1]} : vector<512x768xf32> to vector<512x64xf32>
    %convert_element_type3A_140 = arith.truncf %slice3A_139 : vector<512x64xf32> to vector<512x64xbf16>
    %swap3A_141 = arith.constant 3 : index
    %swap3A_142 = arith.constant 0 : index
    %swap3A_143 = arith.constant 0 : index
    %swap3A_144 = vector.load %arg12[%swap3A_141, %swap3A_142, %swap3A_143] : memref<12x512x64xbf16, #tpu.memory_space<vmem>>, vector<1x512x64xbf16>
    %swap3A_145 = vector.shape_cast %swap3A_144 : vector<1x512x64xbf16> to vector<512x64xbf16>
    %swap3A_146 = vector.shape_cast %convert_element_type3A_140 : vector<512x64xbf16> to vector<1x512x64xbf16>
    tpu.vector_store %arg12[%swap3A_141, %swap3A_142, %swap3A_143], %swap3A_146 {strides = array<i32>} : memref<12x512x64xbf16, #tpu.memory_space<vmem>>, vector<1x512x64xbf16>,
    %slice3A_147 = vector.extract_strided_slice %convert_element_type3A_56 {offsets = [0, 256], sizes = [512, 64], strides = [1, 1]} : vector<512x768xbf16> to vector<512x64xbf16>
    %swap3A_148 = arith.constant 4 : index
    %swap3A_149 = arith.constant 0 : index
    %swap3A_150 = arith.constant 0 : index
    %swap3A_151 = vector.load %arg10[%swap3A_148, %swap3A_149, %swap3A_150] : memref<12x512x64xbf16, #tpu.memory_space<vmem>>, vector<1x512x64xbf16>
    %swap3A_152 = vector.shape_cast %swap3A_151 : vector<1x512x64xbf16> to vector<512x64xbf16>
    %swap3A_153 = vector.shape_cast %slice3A_147 : vector<512x64xbf16> to vector<1x512x64xbf16>
    tpu.vector_store %arg10[%swap3A_148, %swap3A_149, %swap3A_150], %swap3A_153 {strides = array<i32>} : memref<12x512x64xbf16, #tpu.memory_space<vmem>>, vector<1x512x64xbf16>,
    %slice3A_154 = vector.extract_strided_slice %convert_element_type3A_60 {offsets = [0, 256], sizes = [512, 64], strides = [1, 1]} : vector<512x768xbf16> to vector<512x64xbf16>
    %swap3A_155 = arith.constant 4 : index
    %swap3A_156 = arith.constant 0 : index
    %swap3A_157 = arith.constant 0 : index
    %swap3A_158 = vector.load %arg11[%swap3A_155, %swap3A_156, %swap3A_157] : memref<12x512x64xbf16, #tpu.memory_space<vmem>>, vector<1x512x64xbf16>
    %swap3A_159 = vector.shape_cast %swap3A_158 : vector<1x512x64xbf16> to vector<512x64xbf16>
    %swap3A_160 = vector.shape_cast %slice3A_154 : vector<512x64xbf16> to vector<1x512x64xbf16>
    tpu.vector_store %arg11[%swap3A_155, %swap3A_156, %swap3A_157], %swap3A_160 {strides = array<i32>} : memref<12x512x64xbf16, #tpu.memory_space<vmem>>, vector<1x512x64xbf16>,
    %slice3A_161 = vector.extract_strided_slice %dot_general3A_49 {offsets = [0, 256], sizes = [512, 64], strides = [1, 1]} : vector<512x768xf32> to vector<512x64xf32>
    %convert_element_type3A_162 = arith.truncf %slice3A_161 : vector<512x64xf32> to vector<512x64xbf16>
    %swap3A_163 = arith.constant 4 : index
    %swap3A_164 = arith.constant 0 : index
    %swap3A_165 = arith.constant 0 : index
    %swap3A_166 = vector.load %arg12[%swap3A_163, %swap3A_164, %swap3A_165] : memref<12x512x64xbf16, #tpu.memory_space<vmem>>, vector<1x512x64xbf16>
    %swap3A_167 = vector.shape_cast %swap3A_166 : vector<1x512x64xbf16> to vector<512x64xbf16>
    %swap3A_168 = vector.shape_cast %convert_element_type3A_162 : vector<512x64xbf16> to vector<1x512x64xbf16>
    tpu.vector_store %arg12[%swap3A_163, %swap3A_164, %swap3A_165], %swap3A_168 {strides = array<i32>} : memref<12x512x64xbf16, #tpu.memory_space<vmem>>, vector<1x512x64xbf16>,
    %slice3A_169 = vector.extract_strided_slice %convert_element_type3A_56 {offsets = [0, 320], sizes = [512, 64], strides = [1, 1]} : vector<512x768xbf16> to vector<512x64xbf16>
    %swap3A_170 = arith.constant 5 : index
    %swap3A_171 = arith.constant 0 : index
    %swap3A_172 = arith.constant 0 : index
    %swap3A_173 = vector.load %arg10[%swap3A_170, %swap3A_171, %swap3A_172] : memref<12x512x64xbf16, #tpu.memory_space<vmem>>, vector<1x512x64xbf16>
    %swap3A_174 = vector.shape_cast %swap3A_173 : vector<1x512x64xbf16> to vector<512x64xbf16>
    %swap3A_175 = vector.shape_cast %slice3A_169 : vector<512x64xbf16> to vector<1x512x64xbf16>
    tpu.vector_store %arg10[%swap3A_170, %swap3A_171, %swap3A_172], %swap3A_175 {strides = array<i32>} : memref<12x512x64xbf16, #tpu.memory_space<vmem>>, vector<1x512x64xbf16>,
    %slice3A_176 = vector.extract_strided_slice %convert_element_type3A_60 {offsets = [0, 320], sizes = [512, 64], strides = [1, 1]} : vector<512x768xbf16> to vector<512x64xbf16>
    %swap3A_177 = arith.constant 5 : index
    %swap3A_178 = arith.constant 0 : index
    %swap3A_179 = arith.constant 0 : index
    %swap3A_180 = vector.load %arg11[%swap3A_177, %swap3A_178, %swap3A_179] : memref<12x512x64xbf16, #tpu.memory_space<vmem>>, vector<1x512x64xbf16>
    %swap3A_181 = vector.shape_cast %swap3A_180 : vector<1x512x64xbf16> to vector<512x64xbf16>
    %swap3A_182 = vector.shape_cast %slice3A_176 : vector<512x64xbf16> to vector<1x512x64xbf16>
    tpu.vector_store %arg11[%swap3A_177, %swap3A_178, %swap3A_179], %swap3A_182 {strides = array<i32>} : memref<12x512x64xbf16, #tpu.memory_space<vmem>>, vector<1x512x64xbf16>,
    %slice3A_183 = vector.extract_strided_slice %dot_general3A_49 {offsets = [0, 320], sizes = [512, 64], strides = [1, 1]} : vector<512x768xf32> to vector<512x64xf32>
    %convert_element_type3A_184 = arith.truncf %slice3A_183 : vector<512x64xf32> to vector<512x64xbf16>
    %swap3A_185 = arith.constant 5 : index
    %swap3A_186 = arith.constant 0 : index
    %swap3A_187 = arith.constant 0 : index
    %swap3A_188 = vector.load %arg12[%swap3A_185, %swap3A_186, %swap3A_187] : memref<12x512x64xbf16, #tpu.memory_space<vmem>>, vector<1x512x64xbf16>
    %swap3A_189 = vector.shape_cast %swap3A_188 : vector<1x512x64xbf16> to vector<512x64xbf16>
    %swap3A_190 = vector.shape_cast %convert_element_type3A_184 : vector<512x64xbf16> to vector<1x512x64xbf16>
    tpu.vector_store %arg12[%swap3A_185, %swap3A_186, %swap3A_187], %swap3A_190 {strides = array<i32>} : memref<12x512x64xbf16, #tpu.memory_space<vmem>>, vector<1x512x64xbf16>,
    %slice3A_191 = vector.extract_strided_slice %convert_element_type3A_56 {offsets = [0, 384], sizes = [512, 64], strides = [1, 1]} : vector<512x768xbf16> to vector<512x64xbf16>
    %swap3A_192 = arith.constant 6 : index
    %swap3A_193 = arith.constant 0 : index
    %swap3A_194 = arith.constant 0 : index
    %swap3A_195 = vector.load %arg10[%swap3A_192, %swap3A_193, %swap3A_194] : memref<12x512x64xbf16, #tpu.memory_space<vmem>>, vector<1x512x64xbf16>
    %swap3A_196 = vector.shape_cast %swap3A_195 : vector<1x512x64xbf16> to vector<512x64xbf16>
    %swap3A_197 = vector.shape_cast %slice3A_191 : vector<512x64xbf16> to vector<1x512x64xbf16>
    tpu.vector_store %arg10[%swap3A_192, %swap3A_193, %swap3A_194], %swap3A_197 {strides = array<i32>} : memref<12x512x64xbf16, #tpu.memory_space<vmem>>, vector<1x512x64xbf16>,
    %slice3A_198 = vector.extract_strided_slice %convert_element_type3A_60 {offsets = [0, 384], sizes = [512, 64], strides = [1, 1]} : vector<512x768xbf16> to vector<512x64xbf16>
    %swap3A_199 = arith.constant 6 : index
    %swap3A_200 = arith.constant 0 : index
    %swap3A_201 = arith.constant 0 : index
    %swap3A_202 = vector.load %arg11[%swap3A_199, %swap3A_200, %swap3A_201] : memref<12x512x64xbf16, #tpu.memory_space<vmem>>, vector<1x512x64xbf16>
    %swap3A_203 = vector.shape_cast %swap3A_202 : vector<1x512x64xbf16> to vector<512x64xbf16>
    %swap3A_204 = vector.shape_cast %slice3A_198 : vector<512x64xbf16> to vector<1x512x64xbf16>
    tpu.vector_store %arg11[%swap3A_199, %swap3A_200, %swap3A_201], %swap3A_204 {strides = array<i32>} : memref<12x512x64xbf16, #tpu.memory_space<vmem>>, vector<1x512x64xbf16>,
    %slice3A_205 = vector.extract_strided_slice %dot_general3A_49 {offsets = [0, 384], sizes = [512, 64], strides = [1, 1]} : vector<512x768xf32> to vector<512x64xf32>
    %convert_element_type3A_206 = arith.truncf %slice3A_205 : vector<512x64xf32> to vector<512x64xbf16>
    %swap3A_207 = arith.constant 6 : index
    %swap3A_208 = arith.constant 0 : index
    %swap3A_209 = arith.constant 0 : index
    %swap3A_210 = vector.load %arg12[%swap3A_207, %swap3A_208, %swap3A_209] : memref<12x512x64xbf16, #tpu.memory_space<vmem>>, vector<1x512x64xbf16>
    %swap3A_211 = vector.shape_cast %swap3A_210 : vector<1x512x64xbf16> to vector<512x64xbf16>
    %swap3A_212 = vector.shape_cast %convert_element_type3A_206 : vector<512x64xbf16> to vector<1x512x64xbf16>
    tpu.vector_store %arg12[%swap3A_207, %swap3A_208, %swap3A_209], %swap3A_212 {strides = array<i32>} : memref<12x512x64xbf16, #tpu.memory_space<vmem>>, vector<1x512x64xbf16>,
    %slice3A_213 = vector.extract_strided_slice %convert_element_type3A_56 {offsets = [0, 448], sizes = [512, 64], strides = [1, 1]} : vector<512x768xbf16> to vector<512x64xbf16>
    %swap3A_214 = arith.constant 7 : index
    %swap3A_215 = arith.constant 0 : index
    %swap3A_216 = arith.constant 0 : index
    %swap3A_217 = vector.load %arg10[%swap3A_214, %swap3A_215, %swap3A_216] : memref<12x512x64xbf16, #tpu.memory_space<vmem>>, vector<1x512x64xbf16>
    %swap3A_218 = vector.shape_cast %swap3A_217 : vector<1x512x64xbf16> to vector<512x64xbf16>
    %swap3A_219 = vector.shape_cast %slice3A_213 : vector<512x64xbf16> to vector<1x512x64xbf16>
    tpu.vector_store %arg10[%swap3A_214, %swap3A_215, %swap3A_216], %swap3A_219 {strides = array<i32>} : memref<12x512x64xbf16, #tpu.memory_space<vmem>>, vector<1x512x64xbf16>,
    %slice3A_220 = vector.extract_strided_slice %convert_element_type3A_60 {offsets = [0, 448], sizes = [512, 64], strides = [1, 1]} : vector<512x768xbf16> to vector<512x64xbf16>
    %swap3A_221 = arith.constant 7 : index
    %swap3A_222 = arith.constant 0 : index
    %swap3A_223 = arith.constant 0 : index
    %swap3A_224 = vector.load %arg11[%swap3A_221, %swap3A_222, %swap3A_223] : memref<12x512x64xbf16, #tpu.memory_space<vmem>>, vector<1x512x64xbf16>
    %swap3A_225 = vector.shape_cast %swap3A_224 : vector<1x512x64xbf16> to vector<512x64xbf16>
    %swap3A_226 = vector.shape_cast %slice3A_220 : vector<512x64xbf16> to vector<1x512x64xbf16>
    tpu.vector_store %arg11[%swap3A_221, %swap3A_222, %swap3A_223], %swap3A_226 {strides = array<i32>} : memref<12x512x64xbf16, #tpu.memory_space<vmem>>, vector<1x512x64xbf16>,
    %slice3A_227 = vector.extract_strided_slice %dot_general3A_49 {offsets = [0, 448], sizes = [512, 64], strides = [1, 1]} : vector<512x768xf32> to vector<512x64xf32>
    %convert_element_type3A_228 = arith.truncf %slice3A_227 : vector<512x64xf32> to vector<512x64xbf16>
    %swap3A_229 = arith.constant 7 : index
    %swap3A_230 = arith.constant 0 : index
    %swap3A_231 = arith.constant 0 : index
    %swap3A_232 = vector.load %arg12[%swap3A_229, %swap3A_230, %swap3A_231] : memref<12x512x64xbf16, #tpu.memory_space<vmem>>, vector<1x512x64xbf16>
    %swap3A_233 = vector.shape_cast %swap3A_232 : vector<1x512x64xbf16> to vector<512x64xbf16>
    %swap3A_234 = vector.shape_cast %convert_element_type3A_228 : vector<512x64xbf16> to vector<1x512x64xbf16>
    tpu.vector_store %arg12[%swap3A_229, %swap3A_230, %swap3A_231], %swap3A_234 {strides = array<i32>} : memref<12x512x64xbf16, #tpu.memory_space<vmem>>, vector<1x512x64xbf16>,
    %slice3A_235 = vector.extract_strided_slice %convert_element_type3A_56 {offsets = [0, 512], sizes = [512, 64], strides = [1, 1]} : vector<512x768xbf16> to vector<512x64xbf16>
    %swap3A_236 = arith.constant 8 : index
    %swap3A_237 = arith.constant 0 : index
    %swap3A_238 = arith.constant 0 : index
    %swap3A_239 = vector.load %arg10[%swap3A_236, %swap3A_237, %swap3A_238] : memref<12x512x64xbf16, #tpu.memory_space<vmem>>, vector<1x512x64xbf16>
    %swap3A_240 = vector.shape_cast %swap3A_239 : vector<1x512x64xbf16> to vector<512x64xbf16>
    %swap3A_241 = vector.shape_cast %slice3A_235 : vector<512x64xbf16> to vector<1x512x64xbf16>
    tpu.vector_store %arg10[%swap3A_236, %swap3A_237, %swap3A_238], %swap3A_241 {strides = array<i32>} : memref<12x512x64xbf16, #tpu.memory_space<vmem>>, vector<1x512x64xbf16>,
    %slice3A_242 = vector.extract_strided_slice %convert_element_type3A_60 {offsets = [0, 512], sizes = [512, 64], strides = [1, 1]} : vector<512x768xbf16> to vector<512x64xbf16>
    %swap3A_243 = arith.constant 8 : index
    %swap3A_244 = arith.constant 0 : index
    %swap3A_245 = arith.constant 0 : index
    %swap3A_246 = vector.load %arg11[%swap3A_243, %swap3A_244, %swap3A_245] : memref<12x512x64xbf16, #tpu.memory_space<vmem>>, vector<1x512x64xbf16>
    %swap3A_247 = vector.shape_cast %swap3A_246 : vector<1x512x64xbf16> to vector<512x64xbf16>
    %swap3A_248 = vector.shape_cast %slice3A_242 : vector<512x64xbf16> to vector<1x512x64xbf16>
    tpu.vector_store %arg11[%swap3A_243, %swap3A_244, %swap3A_245], %swap3A_248 {strides = array<i32>} : memref<12x512x64xbf16, #tpu.memory_space<vmem>>, vector<1x512x64xbf16>,
    %slice3A_249 = vector.extract_strided_slice %dot_general3A_49 {offsets = [0, 512], sizes = [512, 64], strides = [1, 1]} : vector<512x768xf32> to vector<512x64xf32>
    %convert_element_type3A_250 = arith.truncf %slice3A_249 : vector<512x64xf32> to vector<512x64xbf16>
    %swap3A_251 = arith.constant 8 : index
    %swap3A_252 = arith.constant 0 : index
    %swap3A_253 = arith.constant 0 : index
    %swap3A_254 = vector.load %arg12[%swap3A_251, %swap3A_252, %swap3A_253] : memref<12x512x64xbf16, #tpu.memory_space<vmem>>, vector<1x512x64xbf16>
    %swap3A_255 = vector.shape_cast %swap3A_254 : vector<1x512x64xbf16> to vector<512x64xbf16>
    %swap3A_256 = vector.shape_cast %convert_element_type3A_250 : vector<512x64xbf16> to vector<1x512x64xbf16>
    tpu.vector_store %arg12[%swap3A_251, %swap3A_252, %swap3A_253], %swap3A_256 {strides = array<i32>} : memref<12x512x64xbf16, #tpu.memory_space<vmem>>, vector<1x512x64xbf16>,
    %slice3A_257 = vector.extract_strided_slice %convert_element_type3A_56 {offsets = [0, 576], sizes = [512, 64], strides = [1, 1]} : vector<512x768xbf16> to vector<512x64xbf16>
    %swap3A_258 = arith.constant 9 : index
    %swap3A_259 = arith.constant 0 : index
    %swap3A_260 = arith.constant 0 : index
    %swap3A_261 = vector.load %arg10[%swap3A_258, %swap3A_259, %swap3A_260] : memref<12x512x64xbf16, #tpu.memory_space<vmem>>, vector<1x512x64xbf16>
    %swap3A_262 = vector.shape_cast %swap3A_261 : vector<1x512x64xbf16> to vector<512x64xbf16>
    %swap3A_263 = vector.shape_cast %slice3A_257 : vector<512x64xbf16> to vector<1x512x64xbf16>
    tpu.vector_store %arg10[%swap3A_258, %swap3A_259, %swap3A_260], %swap3A_263 {strides = array<i32>} : memref<12x512x64xbf16, #tpu.memory_space<vmem>>, vector<1x512x64xbf16>,
    %slice3A_264 = vector.extract_strided_slice %convert_element_type3A_60 {offsets = [0, 576], sizes = [512, 64], strides = [1, 1]} : vector<512x768xbf16> to vector<512x64xbf16>
    %swap3A_265 = arith.constant 9 : index
    %swap3A_266 = arith.constant 0 : index
    %swap3A_267 = arith.constant 0 : index
    %swap3A_268 = vector.load %arg11[%swap3A_265, %swap3A_266, %swap3A_267] : memref<12x512x64xbf16, #tpu.memory_space<vmem>>, vector<1x512x64xbf16>
    %swap3A_269 = vector.shape_cast %swap3A_268 : vector<1x512x64xbf16> to vector<512x64xbf16>
    %swap3A_270 = vector.shape_cast %slice3A_264 : vector<512x64xbf16> to vector<1x512x64xbf16>
    tpu.vector_store %arg11[%swap3A_265, %swap3A_266, %swap3A_267], %swap3A_270 {strides = array<i32>} : memref<12x512x64xbf16, #tpu.memory_space<vmem>>, vector<1x512x64xbf16>,
    %slice3A_271 = vector.extract_strided_slice %dot_general3A_49 {offsets = [0, 576], sizes = [512, 64], strides = [1, 1]} : vector<512x768xf32> to vector<512x64xf32>
    %convert_element_type3A_272 = arith.truncf %slice3A_271 : vector<512x64xf32> to vector<512x64xbf16>
    %swap3A_273 = arith.constant 9 : index
    %swap3A_274 = arith.constant 0 : index
    %swap3A_275 = arith.constant 0 : index
    %swap3A_276 = vector.load %arg12[%swap3A_273, %swap3A_274, %swap3A_275] : memref<12x512x64xbf16, #tpu.memory_space<vmem>>, vector<1x512x64xbf16>
    %swap3A_277 = vector.shape_cast %swap3A_276 : vector<1x512x64xbf16> to vector<512x64xbf16>
    %swap3A_278 = vector.shape_cast %convert_element_type3A_272 : vector<512x64xbf16> to vector<1x512x64xbf16>
    tpu.vector_store %arg12[%swap3A_273, %swap3A_274, %swap3A_275], %swap3A_278 {strides = array<i32>} : memref<12x512x64xbf16, #tpu.memory_space<vmem>>, vector<1x512x64xbf16>,
    %slice3A_279 = vector.extract_strided_slice %convert_element_type3A_56 {offsets = [0, 640], sizes = [512, 64], strides = [1, 1]} : vector<512x768xbf16> to vector<512x64xbf16>
    %swap3A_280 = arith.constant 10 : index
    %swap3A_281 = arith.constant 0 : index
    %swap3A_282 = arith.constant 0 : index
    %swap3A_283 = vector.load %arg10[%swap3A_280, %swap3A_281, %swap3A_282] : memref<12x512x64xbf16, #tpu.memory_space<vmem>>, vector<1x512x64xbf16>
    %swap3A_284 = vector.shape_cast %swap3A_283 : vector<1x512x64xbf16> to vector<512x64xbf16>
    %swap3A_285 = vector.shape_cast %slice3A_279 : vector<512x64xbf16> to vector<1x512x64xbf16>
    tpu.vector_store %arg10[%swap3A_280, %swap3A_281, %swap3A_282], %swap3A_285 {strides = array<i32>} : memref<12x512x64xbf16, #tpu.memory_space<vmem>>, vector<1x512x64xbf16>,
    %slice3A_286 = vector.extract_strided_slice %convert_element_type3A_60 {offsets = [0, 640], sizes = [512, 64], strides = [1, 1]} : vector<512x768xbf16> to vector<512x64xbf16>
    %swap3A_287 = arith.constant 10 : index
    %swap3A_288 = arith.constant 0 : index
    %swap3A_289 = arith.constant 0 : index
    %swap3A_290 = vector.load %arg11[%swap3A_287, %swap3A_288, %swap3A_289] : memref<12x512x64xbf16, #tpu.memory_space<vmem>>, vector<1x512x64xbf16>
    %swap3A_291 = vector.shape_cast %swap3A_290 : vector<1x512x64xbf16> to vector<512x64xbf16>
    %swap3A_292 = vector.shape_cast %slice3A_286 : vector<512x64xbf16> to vector<1x512x64xbf16>
    tpu.vector_store %arg11[%swap3A_287, %swap3A_288, %swap3A_289], %swap3A_292 {strides = array<i32>} : memref<12x512x64xbf16, #tpu.memory_space<vmem>>, vector<1x512x64xbf16>,
    %slice3A_293 = vector.extract_strided_slice %dot_general3A_49 {offsets = [0, 640], sizes = [512, 64], strides = [1, 1]} : vector<512x768xf32> to vector<512x64xf32>
    %convert_element_type3A_294 = arith.truncf %slice3A_293 : vector<512x64xf32> to vector<512x64xbf16>
    %swap3A_295 = arith.constant 10 : index
    %swap3A_296 = arith.constant 0 : index
    %swap3A_297 = arith.constant 0 : index
    %swap3A_298 = vector.load %arg12[%swap3A_295, %swap3A_296, %swap3A_297] : memref<12x512x64xbf16, #tpu.memory_space<vmem>>, vector<1x512x64xbf16>
    %swap3A_299 = vector.shape_cast %swap3A_298 : vector<1x512x64xbf16> to vector<512x64xbf16>
    %swap3A_300 = vector.shape_cast %convert_element_type3A_294 : vector<512x64xbf16> to vector<1x512x64xbf16>
    tpu.vector_store %arg12[%swap3A_295, %swap3A_296, %swap3A_297], %swap3A_300 {strides = array<i32>} : memref<12x512x64xbf16, #tpu.memory_space<vmem>>, vector<1x512x64xbf16>,
    %slice3A_301 = vector.extract_strided_slice %convert_element_type3A_56 {offsets = [0, 704], sizes = [512, 64], strides = [1, 1]} : vector<512x768xbf16> to vector<512x64xbf16>
    %swap3A_302 = arith.constant 11 : index
    %swap3A_303 = arith.constant 0 : index
    %swap3A_304 = arith.constant 0 : index
    %swap3A_305 = vector.load %arg10[%swap3A_302, %swap3A_303, %swap3A_304] : memref<12x512x64xbf16, #tpu.memory_space<vmem>>, vector<1x512x64xbf16>
    %swap3A_306 = vector.shape_cast %swap3A_305 : vector<1x512x64xbf16> to vector<512x64xbf16>
    %swap3A_307 = vector.shape_cast %slice3A_301 : vector<512x64xbf16> to vector<1x512x64xbf16>
    tpu.vector_store %arg10[%swap3A_302, %swap3A_303, %swap3A_304], %swap3A_307 {strides = array<i32>} : memref<12x512x64xbf16, #tpu.memory_space<vmem>>, vector<1x512x64xbf16>,
    %slice3A_308 = vector.extract_strided_slice %convert_element_type3A_60 {offsets = [0, 704], sizes = [512, 64], strides = [1, 1]} : vector<512x768xbf16> to vector<512x64xbf16>
    %swap3A_309 = arith.constant 11 : index
    %swap3A_310 = arith.constant 0 : index
    %swap3A_311 = arith.constant 0 : index
    %swap3A_312 = vector.load %arg11[%swap3A_309, %swap3A_310, %swap3A_311] : memref<12x512x64xbf16, #tpu.memory_space<vmem>>, vector<1x512x64xbf16>
    %swap3A_313 = vector.shape_cast %swap3A_312 : vector<1x512x64xbf16> to vector<512x64xbf16>
    %swap3A_314 = vector.shape_cast %slice3A_308 : vector<512x64xbf16> to vector<1x512x64xbf16>
    tpu.vector_store %arg11[%swap3A_309, %swap3A_310, %swap3A_311], %swap3A_314 {strides = array<i32>} : memref<12x512x64xbf16, #tpu.memory_space<vmem>>, vector<1x512x64xbf16>,
    %slice3A_315 = vector.extract_strided_slice %dot_general3A_49 {offsets = [0, 704], sizes = [512, 64], strides = [1, 1]} : vector<512x768xf32> to vector<512x64xf32>
    %convert_element_type3A_316 = arith.truncf %slice3A_315 : vector<512x64xf32> to vector<512x64xbf16>
    %swap3A_317 = arith.constant 11 : index
    %swap3A_318 = arith.constant 0 : index
    %swap3A_319 = arith.constant 0 : index
    %swap3A_320 = vector.load %arg12[%swap3A_317, %swap3A_318, %swap3A_319] : memref<12x512x64xbf16, #tpu.memory_space<vmem>>, vector<1x512x64xbf16>
    %swap3A_321 = vector.shape_cast %swap3A_320 : vector<1x512x64xbf16> to vector<512x64xbf16>
    %swap3A_322 = vector.shape_cast %convert_element_type3A_316 : vector<512x64xbf16> to vector<1x512x64xbf16>
    tpu.vector_store %arg12[%swap3A_317, %swap3A_318, %swap3A_319], %swap3A_322 {strides = array<i32>} : memref<12x512x64xbf16, #tpu.memory_space<vmem>>, vector<1x512x64xbf16>,
    return
  }
  func.func @transform_0(%arg0: i32) -> (i32, i32) {
    %c0_i32 = arith.constant 0 : i32
    %c0_i32_0 = arith.constant 0 : i32
    return %arg0, %c0_i32 : i32, i32
  }
  func.func @transform_1(%arg0: i32) -> (i32, i32) {
    %c0_i32 = arith.constant 0 : i32
    %c0_i32_0 = arith.constant 0 : i32
    %c0_i32_1 = arith.constant 0 : i32
    return %c0_i32, %c0_i32_0 : i32, i32
  }
  func.func @transform_2(%arg0: i32) -> (i32, i32) {
    %c0_i32 = arith.constant 0 : i32
    %c0_i32_0 = arith.constant 0 : i32
    %c0_i32_1 = arith.constant 0 : i32
    return %c0_i32, %c0_i32_0 : i32, i32
  }
  func.func @transform_3(%arg0: i32) -> (i32, i32) {
    %c0_i32 = arith.constant 0 : i32
    %c0_i32_0 = arith.constant 0 : i32
    %c0_i32_1 = arith.constant 0 : i32
    return %c0_i32, %c0_i32_0 : i32, i32
  }
  func.func @transform_4(%arg0: i32) -> (i32, i32) {
    %c0_i32 = arith.constant 0 : i32
    %c0_i32_0 = arith.constant 0 : i32
    %c0_i32_1 = arith.constant 0 : i32
    return %c0_i32, %c0_i32_0 : i32, i32
  }
  func.func @transform_5(%arg0: i32) -> (i32, i32) {
    %c0_i32 = arith.constant 0 : i32
    %c0_i32_0 = arith.constant 0 : i32
    %c0_i32_1 = arith.constant 0 : i32
    return %c0_i32, %c0_i32_0 : i32, i32
  }
  func.func @transform_6(%arg0: i32) -> (i32, i32) {
    %c0_i32 = arith.constant 0 : i32
    %c0_i32_0 = arith.constant 0 : i32
    %c0_i32_1 = arith.constant 0 : i32
    return %c0_i32, %c0_i32_0 : i32, i32
  }
  func.func @transform_7(%arg0: i32) -> (i32, i32) {
    %c0_i32 = arith.constant 0 : i32
    %c0_i32_0 = arith.constant 0 : i32
    return %arg0, %c0_i32 : i32, i32
  }
  func.func @transform_8(%arg0: i32) -> (i32, i32) {
    %c0_i32 = arith.constant 0 : i32
    %c0_i32_0 = arith.constant 0 : i32
    return %arg0, %c0_i32 : i32, i32
  }
  func.func @transform_9(%arg0: i32) -> (i32, i32, i32) {
    %c0_i32 = arith.constant 0 : i32
    %c0_i32_0 = arith.constant 0 : i32
    %c0_i32_1 = arith.constant 0 : i32
    return %c0_i32, %arg0, %c0_i32_0 : i32, i32, i32
  }
  func.func @transform_10(%arg0: i32) -> (i32, i32, i32) {
    %c0_i32 = arith.constant 0 : i32
    %c0_i32_0 = arith.constant 0 : i32
    %c0_i32_1 = arith.constant 0 : i32
    return %c0_i32, %arg0, %c0_i32_0 : i32, i32, i32
  }
  func.func @transform_11(%arg0: i32) -> (i32, i32, i32) {
    %c0_i32 = arith.constant 0 : i32
    %c0_i32_0 = arith.constant 0 : i32
    %c0_i32_1 = arith.constant 0 : i32
    return %c0_i32, %arg0, %c0_i32_0 : i32, i32, i32
  }
}

module attributes {stable_mosaic.version = 14 : i64} {
  func.func @_k2_body(%arg0: i32, %arg1: i32, %arg2: memref<1x512x64xbf16, #tpu.memory_space<vmem>>, %arg3: memref<1x2048x64xbf16, #tpu.memory_space<vmem>>, %arg4: memref<1x2048x64xbf16, #tpu.memory_space<vmem>>, %arg5: memref<1x512x64xbf16, #tpu.memory_space<vmem>>) attributes {dimension_semantics = [#tpu.dimension_semantics<arbitrary>, #tpu.dimension_semantics<arbitrary>], iteration_bounds = array<i64: 12, 4>, scalar_prefetch = 0 : i64, scratch_operands = 0 : i64, tpu.core_type = #tpu.core_type<tc>, window_params = [{transform_indices = @transform_0, window_bounds = array<i64: 1, 512, 64>}, {transform_indices = @transform_1, window_bounds = array<i64: 1, 2048, 64>}, {transform_indices = @transform_2, window_bounds = array<i64: 1, 2048, 64>}, {transform_indices = @transform_3, window_bounds = array<i64: 1, 512, 64>}]} {
    %get3A = arith.constant 0 : index
    %get3A_0 = arith.constant 0 : index
    %get3A_1 = arith.constant 0 : index
    %get3A_2 = vector.load %arg2[%get3A, %get3A_0, %get3A_1] : memref<1x512x64xbf16, #tpu.memory_space<vmem>>, vector<1x512x64xbf16>
    %get3A_3 = vector.shape_cast %get3A_2 : vector<1x512x64xbf16> to vector<512x64xbf16>
    %broadcast_in_dim3A = arith.constant 0.000000e+00 : f32
    %broadcast_in_dim3A_4 = vector.broadcast %broadcast_in_dim3A : f32 to vector<512x1xf32>
    %broadcast_in_dim3A_5 = arith.constant 0.000000e+00 : f32
    %broadcast_in_dim3A_6 = vector.broadcast %broadcast_in_dim3A_5 : f32 to vector<512x64xf32>
    %while3A = arith.constant 0 : i32
    %while3A_7 = arith.subi %arg1, %while3A : i32
    %while3A_8 = arith.addi %while3A, %while3A_7 : i32
    %while3A_9 = arith.constant 1 : i32
    %while3A_10 = arith.divsi %while3A_7, %while3A_9 : i32
    %while3A_11 = arith.muli %while3A_10, %while3A_9 : i32
    %while3A_12 = arith.addi %while3A, %while3A_11 : i32
    %while3A_13 = arith.constant 1 : i32
    %while3A_14:2 = scf.for %while3A_49 = %while3A to %while3A_12 step %while3A_13 iter_args(%while3A_50 = %broadcast_in_dim3A_4, %while3A_51 = %broadcast_in_dim3A_6) -> (vector<512x1xf32>, vector<512x64xf32>)  : i32 {
      %mul3A_52 = arith.constant 512 : i32
      %mul3A_53 = arith.muli %while3A_49, %mul3A_52 : i32
      %get3A_54 = arith.constant 0 : index
      %get3A_55 = arith.index_cast %mul3A_53 : i32 to index
      %get3A_56 = arith.constant 0 : index
      %get3A_57 = vector.load %arg3[%get3A_54, %get3A_55, %get3A_56] : memref<1x2048x64xbf16, #tpu.memory_space<vmem>>, vector<1x512x64xbf16>
      %get3A_58 = vector.shape_cast %get3A_57 : vector<1x512x64xbf16> to vector<512x64xbf16>
      %mul3A_59 = arith.constant 512 : i32
      %mul3A_60 = arith.muli %while3A_49, %mul3A_59 : i32
      %get3A_61 = arith.constant 0 : index
      %get3A_62 = arith.index_cast %mul3A_60 : i32 to index
      %get3A_63 = arith.constant 0 : index
      %get3A_64 = vector.load %arg4[%get3A_61, %get3A_62, %get3A_63] : memref<1x2048x64xbf16, #tpu.memory_space<vmem>>, vector<1x512x64xbf16>
      %get3A_65 = vector.shape_cast %get3A_64 : vector<1x512x64xbf16> to vector<512x64xbf16>
      %dot_general3A_66 = arith.constant dense<0.000000e+00> : vector<512x512xf32>
      %dot_general3A_67 = tpu.matmul %get3A_3, %get3A_58, %dot_general3A_66 {dimension_numbers = #tpu.dot_dimension_numbers<[1], [1], [0], [0], [0, 0, 1, 0], [], []>, transpose_lhs_hint = false} : vector<512x64xbf16>, vector<512x64xbf16>, vector<512x512xf32> -> vector<512x512xf32>
      %convert_element_type3A_68 = arith.truncf %dot_general3A_67 : vector<512x512xf32> to vector<512x512xbf16>
      %exp3A_69 = math.exp %convert_element_type3A_68 : vector<512x512xbf16>
      %convert_element_type3A_70 = arith.extf %exp3A_69 : vector<512x512xbf16> to vector<512x512xf32>
      %reduce_sum3A_71 = arith.constant dense<0.000000e+00> : vector<512xf32>
      %reduce_sum3A_72 = vector.multi_reduction <add>, %convert_element_type3A_70, %reduce_sum3A_71 [1] : vector<512x512xf32> to vector<512xf32>
      %broadcast_in_dim3A_73 = vector.shape_cast %reduce_sum3A_72 : vector<512xf32> to vector<512x1xf32>
      %add3A_74 = arith.addf %while3A_50, %broadcast_in_dim3A_73 : vector<512x1xf32>
      %dot_general3A_75 = arith.constant dense<0.000000e+00> : vector<512x64xf32>
      %dot_general3A_76 = tpu.matmul %exp3A_69, %get3A_65, %dot_general3A_75 {dimension_numbers = #tpu.dot_dimension_numbers<[1], [0], [0], [1], [0, 0, 1, 1], [], []>, transpose_lhs_hint = false} : vector<512x512xbf16>, vector<512x64xbf16>, vector<512x64xf32> -> vector<512x64xf32>
      %add3A_77 = arith.addf %while3A_51, %dot_general3A_76 : vector<512x64xf32>
      scf.yield %add3A_74, %add3A_77 : vector<512x1xf32>, vector<512x64xf32>
    }
    %while3A_15 = arith.constant 1 : i32
    %while3A_16:2 = scf.for %while3A_49 = %while3A_12 to %while3A_8 step %while3A_15 iter_args(%while3A_50 = %while3A_14#0, %while3A_51 = %while3A_14#1) -> (vector<512x1xf32>, vector<512x64xf32>)  : i32 {
      %mul3A_52 = arith.constant 512 : i32
      %mul3A_53 = arith.muli %while3A_49, %mul3A_52 : i32
      %get3A_54 = arith.constant 0 : index
      %get3A_55 = arith.index_cast %mul3A_53 : i32 to index
      %get3A_56 = arith.constant 0 : index
      %get3A_57 = vector.load %arg3[%get3A_54, %get3A_55, %get3A_56] : memref<1x2048x64xbf16, #tpu.memory_space<vmem>>, vector<1x512x64xbf16>
      %get3A_58 = vector.shape_cast %get3A_57 : vector<1x512x64xbf16> to vector<512x64xbf16>
      %mul3A_59 = arith.constant 512 : i32
      %mul3A_60 = arith.muli %while3A_49, %mul3A_59 : i32
      %get3A_61 = arith.constant 0 : index
      %get3A_62 = arith.index_cast %mul3A_60 : i32 to index
      %get3A_63 = arith.constant 0 : index
      %get3A_64 = vector.load %arg4[%get3A_61, %get3A_62, %get3A_63] : memref<1x2048x64xbf16, #tpu.memory_space<vmem>>, vector<1x512x64xbf16>
      %get3A_65 = vector.shape_cast %get3A_64 : vector<1x512x64xbf16> to vector<512x64xbf16>
      %dot_general3A_66 = arith.constant dense<0.000000e+00> : vector<512x512xf32>
      %dot_general3A_67 = tpu.matmul %get3A_3, %get3A_58, %dot_general3A_66 {dimension_numbers = #tpu.dot_dimension_numbers<[1], [1], [0], [0], [0, 0, 1, 0], [], []>, transpose_lhs_hint = false} : vector<512x64xbf16>, vector<512x64xbf16>, vector<512x512xf32> -> vector<512x512xf32>
      %convert_element_type3A_68 = arith.truncf %dot_general3A_67 : vector<512x512xf32> to vector<512x512xbf16>
      %exp3A_69 = math.exp %convert_element_type3A_68 : vector<512x512xbf16>
      %convert_element_type3A_70 = arith.extf %exp3A_69 : vector<512x512xbf16> to vector<512x512xf32>
      %reduce_sum3A_71 = arith.constant dense<0.000000e+00> : vector<512xf32>
      %reduce_sum3A_72 = vector.multi_reduction <add>, %convert_element_type3A_70, %reduce_sum3A_71 [1] : vector<512x512xf32> to vector<512xf32>
      %broadcast_in_dim3A_73 = vector.shape_cast %reduce_sum3A_72 : vector<512xf32> to vector<512x1xf32>
      %add3A_74 = arith.addf %while3A_50, %broadcast_in_dim3A_73 : vector<512x1xf32>
      %dot_general3A_75 = arith.constant dense<0.000000e+00> : vector<512x64xf32>
      %dot_general3A_76 = tpu.matmul %exp3A_69, %get3A_65, %dot_general3A_75 {dimension_numbers = #tpu.dot_dimension_numbers<[1], [0], [0], [1], [0, 0, 1, 1], [], []>, transpose_lhs_hint = false} : vector<512x512xbf16>, vector<512x64xbf16>, vector<512x64xf32> -> vector<512x64xf32>
      %add3A_77 = arith.addf %while3A_51, %dot_general3A_76 : vector<512x64xf32>
      scf.yield %add3A_74, %add3A_77 : vector<512x1xf32>, vector<512x64xf32>
    }
    %iota3A = tpu.iota {dimensions = array<i32: 0>} : vector<512x512xi32>
    %iota3A_17 = tpu.iota {dimensions = array<i32: 1>} : vector<512x512xi32>
    %le3A = arith.cmpi sle, %iota3A_17, %iota3A : vector<512x512xi32>
    %jit3A = arith.constant 0.000000e+00 : f32
    %jit3A_18 = arith.constant -1.000000e+09 : f32
    %broadcast_in_dim3A_19 = vector.broadcast %jit3A : f32 to vector<512x512xf32>
    %broadcast_in_dim3A_20 = vector.broadcast %jit3A_18 : f32 to vector<512x512xf32>
    %select_n3A = arith.select %le3A, %broadcast_in_dim3A_19, %broadcast_in_dim3A_20 : vector<512x512xi1>, vector<512x512xf32>
    %mul3A = arith.constant 512 : i32
    %mul3A_21 = arith.muli %arg1, %mul3A : i32
    %get3A_22 = arith.constant 0 : index
    %get3A_23 = arith.index_cast %mul3A_21 : i32 to index
    %get3A_24 = arith.constant 0 : index
    %get3A_25 = vector.load %arg3[%get3A_22, %get3A_23, %get3A_24] : memref<1x2048x64xbf16, #tpu.memory_space<vmem>>, vector<1x512x64xbf16>
    %get3A_26 = vector.shape_cast %get3A_25 : vector<1x512x64xbf16> to vector<512x64xbf16>
    %mul3A_27 = arith.constant 512 : i32
    %mul3A_28 = arith.muli %arg1, %mul3A_27 : i32
    %get3A_29 = arith.constant 0 : index
    %get3A_30 = arith.index_cast %mul3A_28 : i32 to index
    %get3A_31 = arith.constant 0 : index
    %get3A_32 = vector.load %arg4[%get3A_29, %get3A_30, %get3A_31] : memref<1x2048x64xbf16, #tpu.memory_space<vmem>>, vector<1x512x64xbf16>
    %get3A_33 = vector.shape_cast %get3A_32 : vector<1x512x64xbf16> to vector<512x64xbf16>
    %dot_general3A = arith.constant dense<0.000000e+00> : vector<512x512xf32>
    %dot_general3A_34 = tpu.matmul %get3A_3, %get3A_26, %dot_general3A {dimension_numbers = #tpu.dot_dimension_numbers<[1], [1], [0], [0], [0, 0, 1, 0], [], []>, transpose_lhs_hint = false} : vector<512x64xbf16>, vector<512x64xbf16>, vector<512x512xf32> -> vector<512x512xf32>
    %add3A = arith.addf %dot_general3A_34, %select_n3A : vector<512x512xf32>
    %convert_element_type3A = arith.truncf %add3A : vector<512x512xf32> to vector<512x512xbf16>
    %exp3A = math.exp %convert_element_type3A : vector<512x512xbf16>
    %convert_element_type3A_35 = arith.extf %exp3A : vector<512x512xbf16> to vector<512x512xf32>
    %reduce_sum3A = arith.constant dense<0.000000e+00> : vector<512xf32>
    %reduce_sum3A_36 = vector.multi_reduction <add>, %convert_element_type3A_35, %reduce_sum3A [1] : vector<512x512xf32> to vector<512xf32>
    %broadcast_in_dim3A_37 = vector.shape_cast %reduce_sum3A_36 : vector<512xf32> to vector<512x1xf32>
    %add3A_38 = arith.addf %while3A_16#0, %broadcast_in_dim3A_37 : vector<512x1xf32>
    %dot_general3A_39 = arith.constant dense<0.000000e+00> : vector<512x64xf32>
    %dot_general3A_40 = tpu.matmul %exp3A, %get3A_33, %dot_general3A_39 {dimension_numbers = #tpu.dot_dimension_numbers<[1], [0], [0], [1], [0, 0, 1, 1], [], []>, transpose_lhs_hint = false} : vector<512x512xbf16>, vector<512x64xbf16>, vector<512x64xf32> -> vector<512x64xf32>
    %add3A_41 = arith.addf %while3A_16#1, %dot_general3A_40 : vector<512x64xf32>
    %div3A = vector.broadcast %add3A_38 : vector<512x1xf32> to vector<512x64xf32>
    %div3A_42 = arith.divf %add3A_41, %div3A : vector<512x64xf32>
    %convert_element_type3A_43 = arith.truncf %div3A_42 : vector<512x64xf32> to vector<512x64xbf16>
    %swap3A = arith.constant 0 : index
    %swap3A_44 = arith.constant 0 : index
    %swap3A_45 = arith.constant 0 : index
    %swap3A_46 = vector.load %arg5[%swap3A, %swap3A_44, %swap3A_45] : memref<1x512x64xbf16, #tpu.memory_space<vmem>>, vector<1x512x64xbf16>
    %swap3A_47 = vector.shape_cast %swap3A_46 : vector<1x512x64xbf16> to vector<512x64xbf16>
    %swap3A_48 = vector.shape_cast %convert_element_type3A_43 : vector<512x64xbf16> to vector<1x512x64xbf16>
    tpu.vector_store %arg5[%swap3A, %swap3A_44, %swap3A_45], %swap3A_48 {strides = array<i32>} : memref<1x512x64xbf16, #tpu.memory_space<vmem>>, vector<1x512x64xbf16>,
    return
  }
  func.func @transform_0(%arg0: i32, %arg1: i32) -> (i32, i32, i32) {
    %c0_i32 = arith.constant 0 : i32
    %c0_i32_0 = arith.constant 0 : i32
    return %arg0, %arg1, %c0_i32 : i32, i32, i32
  }
  func.func @transform_1(%arg0: i32, %arg1: i32) -> (i32, i32, i32) {
    %c0_i32 = arith.constant 0 : i32
    %c0_i32_0 = arith.constant 0 : i32
    %c0_i32_1 = arith.constant 0 : i32
    return %arg0, %c0_i32, %c0_i32_0 : i32, i32, i32
  }
  func.func @transform_2(%arg0: i32, %arg1: i32) -> (i32, i32, i32) {
    %c0_i32 = arith.constant 0 : i32
    %c0_i32_0 = arith.constant 0 : i32
    %c0_i32_1 = arith.constant 0 : i32
    return %arg0, %c0_i32, %c0_i32_0 : i32, i32, i32
  }
  func.func @transform_3(%arg0: i32, %arg1: i32) -> (i32, i32, i32) {
    %c0_i32 = arith.constant 0 : i32
    %c0_i32_0 = arith.constant 0 : i32
    return %arg0, %arg1, %c0_i32 : i32, i32, i32
  }
}

module attributes {stable_mosaic.version = 14 : i64} {
  func.func @_k3_body(%arg0: i32, %arg1: memref<12x512x64xbf16, #tpu.memory_space<vmem>>, %arg2: memref<512x768xf32, #tpu.memory_space<vmem>>, %arg3: memref<768x768xf32, #tpu.memory_space<vmem>>, %arg4: memref<1x768xf32, #tpu.memory_space<vmem>>, %arg5: memref<768x8xf32, #tpu.memory_space<vmem>>, %arg6: memref<512x768xf32, #tpu.memory_space<vmem>>, %arg7: memref<512x768xbf16, #tpu.memory_space<vmem>>, %arg8: memref<512x8xf32, #tpu.memory_space<vmem>>) attributes {dimension_semantics = [#tpu.dimension_semantics<arbitrary>], iteration_bounds = array<i64: 4>, scalar_prefetch = 0 : i64, scratch_operands = 0 : i64, tpu.core_type = #tpu.core_type<tc>, window_params = [{transform_indices = @transform_0, window_bounds = array<i64: 12, 512, 64>}, {transform_indices = @transform_1, window_bounds = array<i64: 512, 768>}, {pipeline_mode = #tpu.pipeline_mode<synchronous>, transform_indices = @transform_2, window_bounds = array<i64: 768, 768>}, {pipeline_mode = #tpu.pipeline_mode<synchronous>, transform_indices = @transform_3, window_bounds = array<i64: 1, 768>}, {pipeline_mode = #tpu.pipeline_mode<synchronous>, transform_indices = @transform_4, window_bounds = array<i64: 768, 8>}, {transform_indices = @transform_5, window_bounds = array<i64: 512, 768>}, {transform_indices = @transform_6, window_bounds = array<i64: 512, 768>}, {transform_indices = @transform_7, window_bounds = array<i64: 512, 8>}]} {
    %get3A = arith.constant 0 : index
    %get3A_0 = arith.constant 0 : index
    %get3A_1 = arith.constant 0 : index
    %get3A_2 = vector.load %arg1[%get3A, %get3A_0, %get3A_1] : memref<12x512x64xbf16, #tpu.memory_space<vmem>>, vector<1x512x64xbf16>
    %get3A_3 = vector.shape_cast %get3A_2 : vector<1x512x64xbf16> to vector<512x64xbf16>
    %get3A_4 = arith.constant 1 : index
    %get3A_5 = arith.constant 0 : index
    %get3A_6 = arith.constant 0 : index
    %get3A_7 = vector.load %arg1[%get3A_4, %get3A_5, %get3A_6] : memref<12x512x64xbf16, #tpu.memory_space<vmem>>, vector<1x512x64xbf16>
    %get3A_8 = vector.shape_cast %get3A_7 : vector<1x512x64xbf16> to vector<512x64xbf16>
    %get3A_9 = arith.constant 2 : index
    %get3A_10 = arith.constant 0 : index
    %get3A_11 = arith.constant 0 : index
    %get3A_12 = vector.load %arg1[%get3A_9, %get3A_10, %get3A_11] : memref<12x512x64xbf16, #tpu.memory_space<vmem>>, vector<1x512x64xbf16>
    %get3A_13 = vector.shape_cast %get3A_12 : vector<1x512x64xbf16> to vector<512x64xbf16>
    %get3A_14 = arith.constant 3 : index
    %get3A_15 = arith.constant 0 : index
    %get3A_16 = arith.constant 0 : index
    %get3A_17 = vector.load %arg1[%get3A_14, %get3A_15, %get3A_16] : memref<12x512x64xbf16, #tpu.memory_space<vmem>>, vector<1x512x64xbf16>
    %get3A_18 = vector.shape_cast %get3A_17 : vector<1x512x64xbf16> to vector<512x64xbf16>
    %get3A_19 = arith.constant 4 : index
    %get3A_20 = arith.constant 0 : index
    %get3A_21 = arith.constant 0 : index
    %get3A_22 = vector.load %arg1[%get3A_19, %get3A_20, %get3A_21] : memref<12x512x64xbf16, #tpu.memory_space<vmem>>, vector<1x512x64xbf16>
    %get3A_23 = vector.shape_cast %get3A_22 : vector<1x512x64xbf16> to vector<512x64xbf16>
    %get3A_24 = arith.constant 5 : index
    %get3A_25 = arith.constant 0 : index
    %get3A_26 = arith.constant 0 : index
    %get3A_27 = vector.load %arg1[%get3A_24, %get3A_25, %get3A_26] : memref<12x512x64xbf16, #tpu.memory_space<vmem>>, vector<1x512x64xbf16>
    %get3A_28 = vector.shape_cast %get3A_27 : vector<1x512x64xbf16> to vector<512x64xbf16>
    %get3A_29 = arith.constant 6 : index
    %get3A_30 = arith.constant 0 : index
    %get3A_31 = arith.constant 0 : index
    %get3A_32 = vector.load %arg1[%get3A_29, %get3A_30, %get3A_31] : memref<12x512x64xbf16, #tpu.memory_space<vmem>>, vector<1x512x64xbf16>
    %get3A_33 = vector.shape_cast %get3A_32 : vector<1x512x64xbf16> to vector<512x64xbf16>
    %get3A_34 = arith.constant 7 : index
    %get3A_35 = arith.constant 0 : index
    %get3A_36 = arith.constant 0 : index
    %get3A_37 = vector.load %arg1[%get3A_34, %get3A_35, %get3A_36] : memref<12x512x64xbf16, #tpu.memory_space<vmem>>, vector<1x512x64xbf16>
    %get3A_38 = vector.shape_cast %get3A_37 : vector<1x512x64xbf16> to vector<512x64xbf16>
    %get3A_39 = arith.constant 8 : index
    %get3A_40 = arith.constant 0 : index
    %get3A_41 = arith.constant 0 : index
    %get3A_42 = vector.load %arg1[%get3A_39, %get3A_40, %get3A_41] : memref<12x512x64xbf16, #tpu.memory_space<vmem>>, vector<1x512x64xbf16>
    %get3A_43 = vector.shape_cast %get3A_42 : vector<1x512x64xbf16> to vector<512x64xbf16>
    %get3A_44 = arith.constant 9 : index
    %get3A_45 = arith.constant 0 : index
    %get3A_46 = arith.constant 0 : index
    %get3A_47 = vector.load %arg1[%get3A_44, %get3A_45, %get3A_46] : memref<12x512x64xbf16, #tpu.memory_space<vmem>>, vector<1x512x64xbf16>
    %get3A_48 = vector.shape_cast %get3A_47 : vector<1x512x64xbf16> to vector<512x64xbf16>
    %get3A_49 = arith.constant 10 : index
    %get3A_50 = arith.constant 0 : index
    %get3A_51 = arith.constant 0 : index
    %get3A_52 = vector.load %arg1[%get3A_49, %get3A_50, %get3A_51] : memref<12x512x64xbf16, #tpu.memory_space<vmem>>, vector<1x512x64xbf16>
    %get3A_53 = vector.shape_cast %get3A_52 : vector<1x512x64xbf16> to vector<512x64xbf16>
    %get3A_54 = arith.constant 11 : index
    %get3A_55 = arith.constant 0 : index
    %get3A_56 = arith.constant 0 : index
    %get3A_57 = vector.load %arg1[%get3A_54, %get3A_55, %get3A_56] : memref<12x512x64xbf16, #tpu.memory_space<vmem>>, vector<1x512x64xbf16>
    %get3A_58 = vector.shape_cast %get3A_57 : vector<1x512x64xbf16> to vector<512x64xbf16>
    %concatenate3A = tpu.concatenate %get3A_3, %get3A_8, %get3A_13, %get3A_18, %get3A_23, %get3A_28, %get3A_33, %get3A_38, %get3A_43, %get3A_48, %get3A_53, %get3A_58 in 1 : vector<512x64xbf16>, vector<512x64xbf16>, vector<512x64xbf16>, vector<512x64xbf16>, vector<512x64xbf16>, vector<512x64xbf16>, vector<512x64xbf16>, vector<512x64xbf16>, vector<512x64xbf16>, vector<512x64xbf16>, vector<512x64xbf16>, vector<512x64xbf16> -> vector<512x768xbf16>
    %get3A_59 = arith.constant 0 : index
    %get3A_60 = arith.constant 0 : index
    %get3A_61 = vector.load %arg3[%get3A_59, %get3A_60] : memref<768x768xf32, #tpu.memory_space<vmem>>, vector<768x768xf32>
    %convert_element_type3A = arith.truncf %get3A_61 : vector<768x768xf32> to vector<768x768xbf16>
    %dot_general3A = arith.constant dense<0.000000e+00> : vector<512x768xf32>
    %dot_general3A_62 = tpu.matmul %concatenate3A, %convert_element_type3A, %dot_general3A {dimension_numbers = #tpu.dot_dimension_numbers<[1], [0], [0], [1], [0, 0, 1, 1], [], []>, transpose_lhs_hint = false} : vector<512x768xbf16>, vector<768x768xbf16>, vector<512x768xf32> -> vector<512x768xf32>
    %get3A_63 = arith.constant 0 : index
    %get3A_64 = arith.constant 0 : index
    %get3A_65 = vector.load %arg2[%get3A_63, %get3A_64] : memref<512x768xf32, #tpu.memory_space<vmem>>, vector<512x768xf32>
    %add3A = arith.addf %dot_general3A_62, %get3A_65 : vector<512x768xf32>
    %swap3A = arith.constant 0 : index
    %swap3A_66 = arith.constant 0 : index
    %swap3A_67 = vector.load %arg6[%swap3A, %swap3A_66] : memref<512x768xf32, #tpu.memory_space<vmem>>, vector<512x768xf32>
    tpu.vector_store %arg6[%swap3A, %swap3A_66], %add3A {strides = array<i32>} : memref<512x768xf32, #tpu.memory_space<vmem>>, vector<512x768xf32>,
    %mul3A = arith.mulf %add3A, %add3A : vector<512x768xf32>
    %reduce_sum3A = arith.constant dense<0.000000e+00> : vector<512xf32>
    %reduce_sum3A_68 = vector.multi_reduction <add>, %mul3A, %reduce_sum3A [1] : vector<512x768xf32> to vector<512xf32>
    %broadcast_in_dim3A = vector.shape_cast %reduce_sum3A_68 : vector<512xf32> to vector<512x1xf32>
    %div3A = arith.constant 7.680000e+02 : f32
    %div3A_69 = vector.broadcast %div3A : f32 to vector<512x1xf32>
    %div3A_70 = arith.divf %broadcast_in_dim3A, %div3A_69 : vector<512x1xf32>
    %add3A_71 = arith.constant 9.99999997E-7 : f32
    %add3A_72 = vector.broadcast %add3A_71 : f32 to vector<512x1xf32>
    %add3A_73 = arith.addf %div3A_70, %add3A_72 : vector<512x1xf32>
    %rsqrt3A = math.rsqrt %add3A_73 : vector<512x1xf32>
    %mul3A_74 = vector.broadcast %rsqrt3A : vector<512x1xf32> to vector<512x768xf32>
    %mul3A_75 = arith.mulf %add3A, %mul3A_74 : vector<512x768xf32>
    %get3A_76 = arith.constant 0 : index
    %get3A_77 = arith.constant 0 : index
    %get3A_78 = vector.load %arg4[%get3A_76, %get3A_77] : memref<1x768xf32, #tpu.memory_space<vmem>>, vector<1x768xf32>
    %mul3A_79 = vector.broadcast %get3A_78 : vector<1x768xf32> to vector<512x768xf32>
    %mul3A_80 = arith.mulf %mul3A_75, %mul3A_79 : vector<512x768xf32>
    %convert_element_type3A_81 = arith.truncf %mul3A_80 : vector<512x768xf32> to vector<512x768xbf16>
    %swap3A_82 = arith.constant 0 : index
    %swap3A_83 = arith.constant 0 : index
    %swap3A_84 = vector.load %arg7[%swap3A_82, %swap3A_83] : memref<512x768xbf16, #tpu.memory_space<vmem>>, vector<512x768xbf16>
    tpu.vector_store %arg7[%swap3A_82, %swap3A_83], %convert_element_type3A_81 {strides = array<i32>} : memref<512x768xbf16, #tpu.memory_space<vmem>>, vector<512x768xbf16>,
    %get3A_85 = arith.constant 0 : index
    %get3A_86 = arith.constant 0 : index
    %get3A_87 = vector.load %arg5[%get3A_85, %get3A_86] : memref<768x8xf32, #tpu.memory_space<vmem>>, vector<768x8xf32>
    %dot_general3A_88 = arith.constant dense<0.000000e+00> : vector<512x8xf32>
    %dot_general3A_89 = tpu.matmul %mul3A_80, %get3A_87, %dot_general3A_88 {dimension_numbers = #tpu.dot_dimension_numbers<[1], [0], [0], [1], [0, 0, 1, 1], [], []>, transpose_lhs_hint = false} : vector<512x768xf32>, vector<768x8xf32>, vector<512x8xf32> -> vector<512x8xf32>
    %swap3A_90 = arith.constant 0 : index
    %swap3A_91 = arith.constant 0 : index
    %swap3A_92 = vector.load %arg8[%swap3A_90, %swap3A_91] : memref<512x8xf32, #tpu.memory_space<vmem>>, vector<512x8xf32>
    tpu.vector_store %arg8[%swap3A_90, %swap3A_91], %dot_general3A_89 {strides = array<i32>} : memref<512x8xf32, #tpu.memory_space<vmem>>, vector<512x8xf32>,
    return
  }
  func.func @transform_0(%arg0: i32) -> (i32, i32, i32) {
    %c0_i32 = arith.constant 0 : i32
    %c0_i32_0 = arith.constant 0 : i32
    %c0_i32_1 = arith.constant 0 : i32
    return %c0_i32, %arg0, %c0_i32_0 : i32, i32, i32
  }
  func.func @transform_1(%arg0: i32) -> (i32, i32) {
    %c0_i32 = arith.constant 0 : i32
    %c0_i32_0 = arith.constant 0 : i32
    return %arg0, %c0_i32 : i32, i32
  }
  func.func @transform_2(%arg0: i32) -> (i32, i32) {
    %c0_i32 = arith.constant 0 : i32
    %c0_i32_0 = arith.constant 0 : i32
    %c0_i32_1 = arith.constant 0 : i32
    return %c0_i32, %c0_i32_0 : i32, i32
  }
  func.func @transform_3(%arg0: i32) -> (i32, i32) {
    %c0_i32 = arith.constant 0 : i32
    %c0_i32_0 = arith.constant 0 : i32
    %c0_i32_1 = arith.constant 0 : i32
    return %c0_i32, %c0_i32_0 : i32, i32
  }
  func.func @transform_4(%arg0: i32) -> (i32, i32) {
    %c0_i32 = arith.constant 0 : i32
    %c0_i32_0 = arith.constant 0 : i32
    %c0_i32_1 = arith.constant 0 : i32
    return %c0_i32, %c0_i32_0 : i32, i32
  }
  func.func @transform_5(%arg0: i32) -> (i32, i32) {
    %c0_i32 = arith.constant 0 : i32
    %c0_i32_0 = arith.constant 0 : i32
    return %arg0, %c0_i32 : i32, i32
  }
  func.func @transform_6(%arg0: i32) -> (i32, i32) {
    %c0_i32 = arith.constant 0 : i32
    %c0_i32_0 = arith.constant 0 : i32
    return %arg0, %c0_i32 : i32, i32
  }
  func.func @transform_7(%arg0: i32) -> (i32, i32) {
    %c0_i32 = arith.constant 0 : i32
    %c0_i32_0 = arith.constant 0 : i32
    return %arg0, %c0_i32 : i32, i32
  }
}

module attributes {stable_mosaic.version = 14 : i64} {
  func.func @_k4_body(%arg0: memref<2048x8xf32, #tpu.memory_space<vmem>>, %arg1: memref<2048x1xi32, #tpu.memory_space<vmem>>, %arg2: memref<2048x1xi32, #tpu.memory_space<vmem>>, %arg3: memref<2048x1xf32, #tpu.memory_space<vmem>>) attributes {dimension_semantics = [], scalar_prefetch = 0 : i64, scratch_operands = 0 : i64, tpu.core_type = #tpu.core_type<tc>} {
    %get3A = arith.constant 0 : index
    %get3A_0 = arith.constant 0 : index
    %get3A_1 = vector.load %arg0[%get3A, %get3A_0] : memref<2048x8xf32, #tpu.memory_space<vmem>>, vector<2048x8xf32>
    %reduce_max3A = arith.constant dense<0xFF800000> : vector<2048xf32>
    %reduce_max3A_2 = vector.multi_reduction <maximumf>, %get3A_1, %reduce_max3A [1] : vector<2048x8xf32> to vector<2048xf32>
    %broadcast_in_dim3A = vector.shape_cast %reduce_max3A_2 : vector<2048xf32> to vector<2048x1xf32>
    %sub3A = vector.broadcast %broadcast_in_dim3A : vector<2048x1xf32> to vector<2048x8xf32>
    %sub3A_3 = arith.subf %get3A_1, %sub3A : vector<2048x8xf32>
    %exp3A = math.exp %sub3A_3 : vector<2048x8xf32>
    %reduce_sum3A = arith.constant dense<0.000000e+00> : vector<2048xf32>
    %reduce_sum3A_4 = vector.multi_reduction <add>, %exp3A, %reduce_sum3A [1] : vector<2048x8xf32> to vector<2048xf32>
    %broadcast_in_dim3A_5 = vector.shape_cast %reduce_sum3A_4 : vector<2048xf32> to vector<2048x1xf32>
    %div3A = vector.broadcast %broadcast_in_dim3A_5 : vector<2048x1xf32> to vector<2048x8xf32>
    %div3A_6 = arith.divf %exp3A, %div3A : vector<2048x8xf32>
    %reduce_max3A_7 = arith.constant dense<0xFF800000> : vector<2048xf32>
    %reduce_max3A_8 = vector.multi_reduction <maximumf>, %div3A_6, %reduce_max3A_7 [1] : vector<2048x8xf32> to vector<2048xf32>
    %broadcast_in_dim3A_9 = vector.shape_cast %reduce_max3A_8 : vector<2048xf32> to vector<2048x1xf32>
    %iota3A = tpu.iota {dimensions = array<i32: 1>} : vector<2048x8xi32>
    %eq3A = vector.broadcast %broadcast_in_dim3A : vector<2048x1xf32> to vector<2048x8xf32>
    %eq3A_10 = arith.cmpf oeq, %get3A_1, %eq3A : vector<2048x8xf32>
    %jit3A = arith.constant 8 : i32
    %broadcast_in_dim3A_11 = vector.broadcast %jit3A : i32 to vector<2048x8xi32>
    %select_n3A = arith.select %eq3A_10, %iota3A, %broadcast_in_dim3A_11 : vector<2048x8xi1>, vector<2048x8xi32>
    %reduce_min3A = arith.constant dense<2147483647> : vector<2048xi32>
    %reduce_min3A_12 = vector.multi_reduction <minsi>, %select_n3A, %reduce_min3A [1] : vector<2048x8xi32> to vector<2048xi32>
    %broadcast_in_dim3A_13 = vector.shape_cast %reduce_min3A_12 : vector<2048xi32> to vector<2048x1xi32>
    %eq3A_14 = vector.broadcast %broadcast_in_dim3A_13 : vector<2048x1xi32> to vector<2048x8xi32>
    %eq3A_15 = arith.cmpi eq, %iota3A, %eq3A_14 : vector<2048x8xi32>
    %convert_element_type3A = arith.extui %eq3A_15 : vector<2048x8xi1> to vector<2048x8xi32>
    %convert_element_type3A_16 = arith.sitofp %convert_element_type3A : vector<2048x8xi32> to vector<2048x8xf32>
    %broadcast_in_dim3A_17 = arith.constant 0.000000e+00 : f32
    %broadcast_in_dim3A_18 = vector.broadcast %broadcast_in_dim3A_17 : f32 to vector<1x8xf32>
    %slice3A = vector.extract_strided_slice %convert_element_type3A_16 {offsets = [0, 0], sizes = [2047, 8], strides = [1, 1]} : vector<2048x8xf32> to vector<2047x8xf32>
    %concatenate3A = tpu.concatenate %broadcast_in_dim3A_18, %slice3A in 0 : vector<1x8xf32>, vector<2047x8xf32> -> vector<2048x8xf32>
    %add3A = arith.addf %convert_element_type3A_16, %concatenate3A : vector<2048x8xf32>
    %broadcast_in_dim3A_19 = arith.constant 0.000000e+00 : f32
    %broadcast_in_dim3A_20 = vector.broadcast %broadcast_in_dim3A_19 : f32 to vector<2x8xf32>
    %slice3A_21 = vector.extract_strided_slice %add3A {offsets = [0, 0], sizes = [2046, 8], strides = [1, 1]} : vector<2048x8xf32> to vector<2046x8xf32>
    %concatenate3A_22 = tpu.concatenate %broadcast_in_dim3A_20, %slice3A_21 in 0 : vector<2x8xf32>, vector<2046x8xf32> -> vector<2048x8xf32>
    %add3A_23 = arith.addf %add3A, %concatenate3A_22 : vector<2048x8xf32>
    %broadcast_in_dim3A_24 = arith.constant 0.000000e+00 : f32
    %broadcast_in_dim3A_25 = vector.broadcast %broadcast_in_dim3A_24 : f32 to vector<4x8xf32>
    %slice3A_26 = vector.extract_strided_slice %add3A_23 {offsets = [0, 0], sizes = [2044, 8], strides = [1, 1]} : vector<2048x8xf32> to vector<2044x8xf32>
    %concatenate3A_27 = tpu.concatenate %broadcast_in_dim3A_25, %slice3A_26 in 0 : vector<4x8xf32>, vector<2044x8xf32> -> vector<2048x8xf32>
    %add3A_28 = arith.addf %add3A_23, %concatenate3A_27 : vector<2048x8xf32>
    %broadcast_in_dim3A_29 = arith.constant 0.000000e+00 : f32
    %broadcast_in_dim3A_30 = vector.broadcast %broadcast_in_dim3A_29 : f32 to vector<8x8xf32>
    %slice3A_31 = vector.extract_strided_slice %add3A_28 {offsets = [0, 0], sizes = [2040, 8], strides = [1, 1]} : vector<2048x8xf32> to vector<2040x8xf32>
    %concatenate3A_32 = tpu.concatenate %broadcast_in_dim3A_30, %slice3A_31 in 0 : vector<8x8xf32>, vector<2040x8xf32> -> vector<2048x8xf32>
    %add3A_33 = arith.addf %add3A_28, %concatenate3A_32 : vector<2048x8xf32>
    %broadcast_in_dim3A_34 = arith.constant 0.000000e+00 : f32
    %broadcast_in_dim3A_35 = vector.broadcast %broadcast_in_dim3A_34 : f32 to vector<16x8xf32>
    %slice3A_36 = vector.extract_strided_slice %add3A_33 {offsets = [0, 0], sizes = [2032, 8], strides = [1, 1]} : vector<2048x8xf32> to vector<2032x8xf32>
    %concatenate3A_37 = tpu.concatenate %broadcast_in_dim3A_35, %slice3A_36 in 0 : vector<16x8xf32>, vector<2032x8xf32> -> vector<2048x8xf32>
    %add3A_38 = arith.addf %add3A_33, %concatenate3A_37 : vector<2048x8xf32>
    %broadcast_in_dim3A_39 = arith.constant 0.000000e+00 : f32
    %broadcast_in_dim3A_40 = vector.broadcast %broadcast_in_dim3A_39 : f32 to vector<32x8xf32>
    %slice3A_41 = vector.extract_strided_slice %add3A_38 {offsets = [0, 0], sizes = [2016, 8], strides = [1, 1]} : vector<2048x8xf32> to vector<2016x8xf32>
    %concatenate3A_42 = tpu.concatenate %broadcast_in_dim3A_40, %slice3A_41 in 0 : vector<32x8xf32>, vector<2016x8xf32> -> vector<2048x8xf32>
    %add3A_43 = arith.addf %add3A_38, %concatenate3A_42 : vector<2048x8xf32>
    %broadcast_in_dim3A_44 = arith.constant 0.000000e+00 : f32
    %broadcast_in_dim3A_45 = vector.broadcast %broadcast_in_dim3A_44 : f32 to vector<64x8xf32>
    %slice3A_46 = vector.extract_strided_slice %add3A_43 {offsets = [0, 0], sizes = [1984, 8], strides = [1, 1]} : vector<2048x8xf32> to vector<1984x8xf32>
    %concatenate3A_47 = tpu.concatenate %broadcast_in_dim3A_45, %slice3A_46 in 0 : vector<64x8xf32>, vector<1984x8xf32> -> vector<2048x8xf32>
    %add3A_48 = arith.addf %add3A_43, %concatenate3A_47 : vector<2048x8xf32>
    %broadcast_in_dim3A_49 = arith.constant 0.000000e+00 : f32
    %broadcast_in_dim3A_50 = vector.broadcast %broadcast_in_dim3A_49 : f32 to vector<128x8xf32>
    %slice3A_51 = vector.extract_strided_slice %add3A_48 {offsets = [0, 0], sizes = [1920, 8], strides = [1, 1]} : vector<2048x8xf32> to vector<1920x8xf32>
    %concatenate3A_52 = tpu.concatenate %broadcast_in_dim3A_50, %slice3A_51 in 0 : vector<128x8xf32>, vector<1920x8xf32> -> vector<2048x8xf32>
    %add3A_53 = arith.addf %add3A_48, %concatenate3A_52 : vector<2048x8xf32>
    %broadcast_in_dim3A_54 = arith.constant 0.000000e+00 : f32
    %broadcast_in_dim3A_55 = vector.broadcast %broadcast_in_dim3A_54 : f32 to vector<256x8xf32>
    %slice3A_56 = vector.extract_strided_slice %add3A_53 {offsets = [0, 0], sizes = [1792, 8], strides = [1, 1]} : vector<2048x8xf32> to vector<1792x8xf32>
    %concatenate3A_57 = tpu.concatenate %broadcast_in_dim3A_55, %slice3A_56 in 0 : vector<256x8xf32>, vector<1792x8xf32> -> vector<2048x8xf32>
    %add3A_58 = arith.addf %add3A_53, %concatenate3A_57 : vector<2048x8xf32>
    %broadcast_in_dim3A_59 = arith.constant 0.000000e+00 : f32
    %broadcast_in_dim3A_60 = vector.broadcast %broadcast_in_dim3A_59 : f32 to vector<512x8xf32>
    %slice3A_61 = vector.extract_strided_slice %add3A_58 {offsets = [0, 0], sizes = [1536, 8], strides = [1, 1]} : vector<2048x8xf32> to vector<1536x8xf32>
    %concatenate3A_62 = tpu.concatenate %broadcast_in_dim3A_60, %slice3A_61 in 0 : vector<512x8xf32>, vector<1536x8xf32> -> vector<2048x8xf32>
    %add3A_63 = arith.addf %add3A_58, %concatenate3A_62 : vector<2048x8xf32>
    %broadcast_in_dim3A_64 = arith.constant 0.000000e+00 : f32
    %broadcast_in_dim3A_65 = vector.broadcast %broadcast_in_dim3A_64 : f32 to vector<1024x8xf32>
    %slice3A_66 = vector.extract_strided_slice %add3A_63 {offsets = [0, 0], sizes = [1024, 8], strides = [1, 1]} : vector<2048x8xf32> to vector<1024x8xf32>
    %concatenate3A_67 = tpu.concatenate %broadcast_in_dim3A_65, %slice3A_66 in 0 : vector<1024x8xf32>, vector<1024x8xf32> -> vector<2048x8xf32>
    %add3A_68 = arith.addf %add3A_63, %concatenate3A_67 : vector<2048x8xf32>
    %mul3A = arith.mulf %add3A_68, %convert_element_type3A_16 : vector<2048x8xf32>
    %reduce_sum3A_69 = arith.constant dense<0.000000e+00> : vector<2048xf32>
    %reduce_sum3A_70 = vector.multi_reduction <add>, %mul3A, %reduce_sum3A_69 [1] : vector<2048x8xf32> to vector<2048xf32>
    %broadcast_in_dim3A_71 = vector.shape_cast %reduce_sum3A_70 : vector<2048xf32> to vector<2048x1xf32>
    %sub3A_72 = arith.constant 1.000000e+00 : f32
    %sub3A_73 = vector.broadcast %sub3A_72 : f32 to vector<2048x1xf32>
    %sub3A_74 = arith.subf %broadcast_in_dim3A_71, %sub3A_73 : vector<2048x1xf32>
    %lt3A = arith.constant 2.560000e+02 : f32
    %lt3A_75 = vector.broadcast %lt3A : f32 to vector<2048x1xf32>
    %lt3A_76 = arith.cmpf olt, %sub3A_74, %lt3A_75 : vector<2048x1xf32>
    %mul3A_77 = arith.constant 256 : i32
    %mul3A_78 = vector.broadcast %mul3A_77 : i32 to vector<2048x1xi32>
    %mul3A_79 = arith.muli %broadcast_in_dim3A_13, %mul3A_78 : vector<2048x1xi32>
    %convert_element_type3A_80 = arith.fptosi %sub3A_74 : vector<2048x1xf32> to vector<2048x1xi32>
    %add3A_81 = arith.addi %mul3A_79, %convert_element_type3A_80 : vector<2048x1xi32>
    %jit3A_82 = arith.constant -1 : i32
    %broadcast_in_dim3A_83 = vector.broadcast %jit3A_82 : i32 to vector<2048x1xi32>
    %select_n3A_84 = arith.select %lt3A_76, %add3A_81, %broadcast_in_dim3A_83 : vector<2048x1xi1>, vector<2048x1xi32>
    %swap3A = arith.constant 0 : index
    %swap3A_85 = arith.constant 0 : index
    %swap3A_86 = vector.load %arg1[%swap3A, %swap3A_85] : memref<2048x1xi32, #tpu.memory_space<vmem>>, vector<2048x1xi32>
    tpu.vector_store %arg1[%swap3A, %swap3A_85], %select_n3A_84 {strides = array<i32>} : memref<2048x1xi32, #tpu.memory_space<vmem>>, vector<2048x1xi32>,
    %jit3A_87 = arith.constant 0 : i32
    %broadcast_in_dim3A_88 = vector.broadcast %jit3A_87 : i32 to vector<2048x1xi32>
    %select_n3A_89 = arith.select %lt3A_76, %add3A_81, %broadcast_in_dim3A_88 : vector<2048x1xi1>, vector<2048x1xi32>
    %swap3A_90 = arith.constant 0 : index
    %swap3A_91 = arith.constant 0 : index
    %swap3A_92 = vector.load %arg2[%swap3A_90, %swap3A_91] : memref<2048x1xi32, #tpu.memory_space<vmem>>, vector<2048x1xi32>
    tpu.vector_store %arg2[%swap3A_90, %swap3A_91], %select_n3A_89 {strides = array<i32>} : memref<2048x1xi32, #tpu.memory_space<vmem>>, vector<2048x1xi32>,
    %jit3A_93 = arith.constant 0.000000e+00 : f32
    %broadcast_in_dim3A_94 = vector.broadcast %jit3A_93 : f32 to vector<2048x1xf32>
    %select_n3A_95 = arith.select %lt3A_76, %broadcast_in_dim3A_9, %broadcast_in_dim3A_94 : vector<2048x1xi1>, vector<2048x1xf32>
    %swap3A_96 = arith.constant 0 : index
    %swap3A_97 = arith.constant 0 : index
    %swap3A_98 = vector.load %arg3[%swap3A_96, %swap3A_97] : memref<2048x1xf32, #tpu.memory_space<vmem>>, vector<2048x1xf32>
    tpu.vector_store %arg3[%swap3A_96, %swap3A_97], %select_n3A_95 {strides = array<i32>} : memref<2048x1xf32, #tpu.memory_space<vmem>>, vector<2048x1xf32>,
    return
  }
}

module attributes {stable_mosaic.version = 14 : i64} {
  func.func @_k6_body(%arg0: i32, %arg1: memref<2048x1xi32, #tpu.memory_space<vmem>>, %arg2: memref<2048x768xbf16, #tpu.memory_space<vmem>>, %arg3: memref<1x768x1536xf32, #tpu.memory_space<vmem>>, %arg4: memref<1x1536x768xf32, #tpu.memory_space<vmem>>, %arg5: memref<256x768xf32, #tpu.memory_space<vmem>>) attributes {dimension_semantics = [#tpu.dimension_semantics<arbitrary>], iteration_bounds = array<i64: 8>, scalar_prefetch = 0 : i64, scratch_operands = 0 : i64, tpu.core_type = #tpu.core_type<tc>, window_params = [{pipeline_mode = #tpu.pipeline_mode<synchronous>, transform_indices = @transform_0, window_bounds = array<i64: 2048, 1>}, {pipeline_mode = #tpu.pipeline_mode<synchronous>, transform_indices = @transform_1, window_bounds = array<i64: 2048, 768>}, {transform_indices = @transform_2, window_bounds = array<i64: 1, 768, 1536>}, {transform_indices = @transform_3, window_bounds = array<i64: 1, 1536, 768>}, {transform_indices = @transform_4, window_bounds = array<i64: 256, 768>}]} {
    %get3A = arith.constant 0 : index
    %get3A_0 = arith.constant 0 : index
    %get3A_1 = vector.load %arg1[%get3A, %get3A_0] : memref<2048x1xi32, #tpu.memory_space<vmem>>, vector<2048x1xi32>
    %iota3A = tpu.iota {dimensions = array<i32: 1>} : vector<2048x256xi32>
    %mul3A = arith.constant 256 : i32
    %mul3A_2 = arith.muli %arg0, %mul3A : i32
    %add3A = vector.broadcast %mul3A_2 : i32 to vector<2048x256xi32>
    %add3A_3 = arith.addi %iota3A, %add3A : vector<2048x256xi32>
    %eq3A = vector.broadcast %get3A_1 : vector<2048x1xi32> to vector<2048x256xi32>
    %eq3A_4 = arith.cmpi eq, %eq3A, %add3A_3 : vector<2048x256xi32>
    %convert_element_type3A = arith.extui %eq3A_4 : vector<2048x256xi1> to vector<2048x256xi32>
    %convert_element_type3A_5 = arith.sitofp %convert_element_type3A : vector<2048x256xi32> to vector<2048x256xf32>
    %convert_element_type3A_6 = arith.truncf %convert_element_type3A_5 : vector<2048x256xf32> to vector<2048x256xbf16>
    %get3A_7 = arith.constant 0 : index
    %get3A_8 = arith.constant 0 : index
    %get3A_9 = vector.load %arg2[%get3A_7, %get3A_8] : memref<2048x768xbf16, #tpu.memory_space<vmem>>, vector<2048x768xbf16>
    %dot_general3A = arith.constant dense<0.000000e+00> : vector<256x768xf32>
    %dot_general3A_10 = tpu.matmul %convert_element_type3A_6, %get3A_9, %dot_general3A {dimension_numbers = #tpu.dot_dimension_numbers<[0], [0], [1], [1], [0, 1, 1, 1], [], []>, transpose_lhs_hint = false} : vector<2048x256xbf16>, vector<2048x768xbf16>, vector<256x768xf32> -> vector<256x768xf32>
    %convert_element_type3A_11 = arith.truncf %dot_general3A_10 : vector<256x768xf32> to vector<256x768xbf16>
    %get3A_12 = arith.constant 0 : index
    %get3A_13 = arith.constant 0 : index
    %get3A_14 = arith.constant 0 : index
    %get3A_15 = vector.load %arg3[%get3A_12, %get3A_13, %get3A_14] : memref<1x768x1536xf32, #tpu.memory_space<vmem>>, vector<1x768x1536xf32>
    %get3A_16 = vector.shape_cast %get3A_15 : vector<1x768x1536xf32> to vector<768x1536xf32>
    %convert_element_type3A_17 = arith.truncf %get3A_16 : vector<768x1536xf32> to vector<768x1536xbf16>
    %dot_general3A_18 = arith.constant dense<0.000000e+00> : vector<256x1536xf32>
    %dot_general3A_19 = tpu.matmul %convert_element_type3A_11, %convert_element_type3A_17, %dot_general3A_18 {dimension_numbers = #tpu.dot_dimension_numbers<[1], [0], [0], [1], [0, 0, 1, 1], [], []>, transpose_lhs_hint = false} : vector<256x768xbf16>, vector<768x1536xbf16>, vector<256x1536xf32> -> vector<256x1536xf32>
    %integer_pow3A = arith.mulf %dot_general3A_19, %dot_general3A_19 : vector<256x1536xf32>
    %integer_pow3A_20 = arith.mulf %dot_general3A_19, %integer_pow3A : vector<256x1536xf32>
    %mul3A_21 = arith.constant 4.471500e-02 : f32
    %mul3A_22 = vector.broadcast %mul3A_21 : f32 to vector<256x1536xf32>
    %mul3A_23 = arith.mulf %mul3A_22, %integer_pow3A_20 : vector<256x1536xf32>
    %add3A_24 = arith.addf %dot_general3A_19, %mul3A_23 : vector<256x1536xf32>
    %mul3A_25 = arith.constant 0.797884583 : f32
    %mul3A_26 = vector.broadcast %mul3A_25 : f32 to vector<256x1536xf32>
    %mul3A_27 = arith.mulf %mul3A_26, %add3A_24 : vector<256x1536xf32>
    %tanh3A = math.tanh %mul3A_27 : vector<256x1536xf32>
    %add3A_28 = arith.constant 1.000000e+00 : f32
    %add3A_29 = vector.broadcast %add3A_28 : f32 to vector<256x1536xf32>
    %add3A_30 = arith.addf %add3A_29, %tanh3A : vector<256x1536xf32>
    %mul3A_31 = arith.constant 5.000000e-01 : f32
    %mul3A_32 = vector.broadcast %mul3A_31 : f32 to vector<256x1536xf32>
    %mul3A_33 = arith.mulf %mul3A_32, %add3A_30 : vector<256x1536xf32>
    %mul3A_34 = arith.mulf %dot_general3A_19, %mul3A_33 : vector<256x1536xf32>
    %convert_element_type3A_35 = arith.truncf %mul3A_34 : vector<256x1536xf32> to vector<256x1536xbf16>
    %get3A_36 = arith.constant 0 : index
    %get3A_37 = arith.constant 0 : index
    %get3A_38 = arith.constant 0 : index
    %get3A_39 = vector.load %arg4[%get3A_36, %get3A_37, %get3A_38] : memref<1x1536x768xf32, #tpu.memory_space<vmem>>, vector<1x1536x768xf32>
    %get3A_40 = vector.shape_cast %get3A_39 : vector<1x1536x768xf32> to vector<1536x768xf32>
    %convert_element_type3A_41 = arith.truncf %get3A_40 : vector<1536x768xf32> to vector<1536x768xbf16>
    %dot_general3A_42 = arith.constant dense<0.000000e+00> : vector<256x768xf32>
    %dot_general3A_43 = tpu.matmul %convert_element_type3A_35, %convert_element_type3A_41, %dot_general3A_42 {dimension_numbers = #tpu.dot_dimension_numbers<[1], [0], [0], [1], [0, 0, 1, 1], [], []>, transpose_lhs_hint = false} : vector<256x1536xbf16>, vector<1536x768xbf16>, vector<256x768xf32> -> vector<256x768xf32>
    %swap3A = arith.constant 0 : index
    %swap3A_44 = arith.constant 0 : index
    %swap3A_45 = vector.load %arg5[%swap3A, %swap3A_44] : memref<256x768xf32, #tpu.memory_space<vmem>>, vector<256x768xf32>
    tpu.vector_store %arg5[%swap3A, %swap3A_44], %dot_general3A_43 {strides = array<i32>} : memref<256x768xf32, #tpu.memory_space<vmem>>, vector<256x768xf32>,
    return
  }
  func.func @transform_0(%arg0: i32) -> (i32, i32) {
    %c0_i32 = arith.constant 0 : i32
    %c0_i32_0 = arith.constant 0 : i32
    %c0_i32_1 = arith.constant 0 : i32
    return %c0_i32, %c0_i32_0 : i32, i32
  }
  func.func @transform_1(%arg0: i32) -> (i32, i32) {
    %c0_i32 = arith.constant 0 : i32
    %c0_i32_0 = arith.constant 0 : i32
    %c0_i32_1 = arith.constant 0 : i32
    return %c0_i32, %c0_i32_0 : i32, i32
  }
  func.func @transform_2(%arg0: i32) -> (i32, i32, i32) {
    %c0_i32 = arith.constant 0 : i32
    %c0_i32_0 = arith.constant 0 : i32
    %c0_i32_1 = arith.constant 0 : i32
    return %arg0, %c0_i32, %c0_i32_0 : i32, i32, i32
  }
  func.func @transform_3(%arg0: i32) -> (i32, i32, i32) {
    %c0_i32 = arith.constant 0 : i32
    %c0_i32_0 = arith.constant 0 : i32
    %c0_i32_1 = arith.constant 0 : i32
    return %arg0, %c0_i32, %c0_i32_0 : i32, i32, i32
  }
  func.func @transform_4(%arg0: i32) -> (i32, i32) {
    %c0_i32 = arith.constant 0 : i32
    %c0_i32_0 = arith.constant 0 : i32
    return %arg0, %c0_i32 : i32, i32
  }
}

module attributes {stable_mosaic.version = 14 : i64} {
  func.func @_k7_body(%arg0: i32, %arg1: memref<512x768xf32, #tpu.memory_space<vmem>>, %arg2: memref<512x1xf32, #tpu.memory_space<vmem>>, %arg3: memref<512x768xf32, #tpu.memory_space<vmem>>, %arg4: memref<512x768xf32, #tpu.memory_space<vmem>>) attributes {dimension_semantics = [#tpu.dimension_semantics<arbitrary>], iteration_bounds = array<i64: 4>, scalar_prefetch = 0 : i64, scratch_operands = 0 : i64, tpu.core_type = #tpu.core_type<tc>, window_params = [{transform_indices = @transform_0, window_bounds = array<i64: 512, 768>}, {transform_indices = @transform_1, window_bounds = array<i64: 512, 1>}, {transform_indices = @transform_2, window_bounds = array<i64: 512, 768>}, {transform_indices = @transform_3, window_bounds = array<i64: 512, 768>}]} {
    %get3A = arith.constant 0 : index
    %get3A_0 = arith.constant 0 : index
    %get3A_1 = vector.load %arg1[%get3A, %get3A_0] : memref<512x768xf32, #tpu.memory_space<vmem>>, vector<512x768xf32>
    %get3A_2 = arith.constant 0 : index
    %get3A_3 = arith.constant 0 : index
    %get3A_4 = vector.load %arg2[%get3A_2, %get3A_3] : memref<512x1xf32, #tpu.memory_space<vmem>>, vector<512x1xf32>
    %get3A_5 = arith.constant 0 : index
    %get3A_6 = arith.constant 0 : index
    %get3A_7 = vector.load %arg3[%get3A_5, %get3A_6] : memref<512x768xf32, #tpu.memory_space<vmem>>, vector<512x768xf32>
    %mul3A = vector.broadcast %get3A_4 : vector<512x1xf32> to vector<512x768xf32>
    %mul3A_8 = arith.mulf %mul3A, %get3A_7 : vector<512x768xf32>
    %add3A = arith.addf %get3A_1, %mul3A_8 : vector<512x768xf32>
    %swap3A = arith.constant 0 : index
    %swap3A_9 = arith.constant 0 : index
    %swap3A_10 = vector.load %arg4[%swap3A, %swap3A_9] : memref<512x768xf32, #tpu.memory_space<vmem>>, vector<512x768xf32>
    tpu.vector_store %arg4[%swap3A, %swap3A_9], %add3A {strides = array<i32>} : memref<512x768xf32, #tpu.memory_space<vmem>>, vector<512x768xf32>,
    return
  }
  func.func @transform_0(%arg0: i32) -> (i32, i32) {
    %c0_i32 = arith.constant 0 : i32
    %c0_i32_0 = arith.constant 0 : i32
    return %arg0, %c0_i32 : i32, i32
  }
  func.func @transform_1(%arg0: i32) -> (i32, i32) {
    %c0_i32 = arith.constant 0 : i32
    %c0_i32_0 = arith.constant 0 : i32
    return %arg0, %c0_i32 : i32, i32
  }
  func.func @transform_2(%arg0: i32) -> (i32, i32) {
    %c0_i32 = arith.constant 0 : i32
    %c0_i32_0 = arith.constant 0 : i32
    return %arg0, %c0_i32 : i32, i32
  }
  func.func @transform_3(%arg0: i32) -> (i32, i32) {
    %c0_i32 = arith.constant 0 : i32
    %c0_i32_0 = arith.constant 0 : i32
    return %arg0, %c0_i32 : i32, i32
  }
}

</mosaic_0001>

<sc_bundles>
// kernel: kernel.9.cloned.1.call-start
scs
__scs_entry_jumppad:
0x0: {  	(pc) =	sbr.rel $0x88, $3  }
0x1: {  	(tag) =	ssettag $0x0;
	lr =	simm.s32 $0x1  }
0x2: {  	[smem:$0x3F97] =	sst lr;
	_ =	strace $0xD0000000  }
0x3: {  	_ = 	snop  }
0x4: {  	_ = 	snop  }
0x5: {  	_ = 	snop  }
0x6: {  	_ = 	snop  }
0x7: {  	_ = 	snop  }
__scs_overlays_trampoline_lowered:
0x8: {  	[smem:$0x3FA6] =	sst s0  }
0x9: {  	[smem:$0x3FA7] =	sst s1  }
0xa: {  	[smem:$0x3FA8] =	sst s2  }
0xb: {  	[smem:$0x3FA9] =	sst s3  }
0xc: {  	[smem:$0x3FAA] =	sst s4  }
0xd: {  	[smem:$0x3FAB] =	sst s5  }
0xe: {  	[smem:$0x3FAC] =	sst s6  }
0xf: {  	[smem:$0x3FAD] =	sst s7  }
0x10: {  	[smem:$0x3FAE] =	sst s8  }
0x11: {  	[smem:$0x3FAF] =	sst s9;
	s0 =	simm.s32 @!p0 $0x0  }
0x12: {  	s1 =	sld [smem:$0x3F95];
	s0 =	simm.s32 @p0 $0x1  }
0x13: {  	[smem:$0x3FB0] =	sst s0;
	s0 =	simm.s32 @!p1 $0x0  }
0x14: {  	s2 =	sld [smem:$0x3F94];
	s0 =	simm.s32 @p1 $0x1  }
0x15: {  	[smem:$0x3FB1] =	sst s0;
	s0 =	simm.s32 @!p2 $0x0  }
0x16: {  	s3 =	sld [smem:$0x3FDB];
	s0 =	simm.s32 @p2 $0x1  }
0x17: {  	s4 =	simm.s32 $0x1BF5;
	[smem:$0x3FB3] =	sst s0  }
0x18: {  	s0 =	sld [smem:$0x3F96];
	_ =	swait.ge [sflag:s4], $0x0  }
0x19: {  	s7 =	sld [smem:$0x3F97]  }
0x1a: {  	s8 =	sadd.s32 $0xFFFFE003, lr  }
0x1b: {  	s9 =	sadd.s32 $0xFFFFFEF7, lr;
	s5 =	simm.s32 $0xFFFFFFFF;
	p2 =	slt.u32 s8, $0xFFFFF086  }
0x1c: {  	p1 =	slt.u32 s9, $0xF7A;
	s5 =	simm.s32 @!p2 $0x0  }
0x1d: {  	s5 =	simm.s32 @p1 $0x1;
	p0 =	seq.s32 s7, s2  }
0x1e: {  	s7 =	smul.u32 @!p0 $0xF7A, s2;
	p2 =	seq.s32 @!p0 s5, $0x0  }
0x1f: {  	s9 =	smul.u32 $0xF7A, s1;
	s8 =	simm.s32 @!p0 $0x1BF5;
	p2 =	por !p2, p0  }
0x20: {  	[sflag:s8] =	ssyncset.s32 @!p0 $0xFFFFF086;
	s6 =	sadd.s32 @!p0 s3, s7;
	s7 =	simm.s32 @!p0 $0x108  }
0x21: {  	s3 =	sadd.s32 s3, s9;
	s6 =	sadd.s32 @!p0 $0x88, s6;
	s7 =	simm.s32 @p2 $0x1082  }
0x22: {  	[simem:s7], [sflag:s8] =	dma.local @!p0 [hbm:s6], $0xF7A  }
0x23: {  	s9 =	sor.u32 $0xD0000000, s2;
	s6 =	simm.s32 $0x108;
	_ =	swait.ge @!p0 [sflag:s8], $0x0  }
0x24: {  	s3 =	sadd.s32 $0x88, s3;
	s6 =	simm.s32 @!p1 $0x1082;
	[sflag:s4] =	ssyncset.s32 $0xFFFFF086  }
0x25: {  	[simem:s6], [sflag:s4] =	dma.local [hbm:s3], $0xF7A  }
0x26: {  	[smem:$0x3F97] =	sst s1;
	(tag) =	ssettag s2;
	_ =	strace s9  }
0x27: {  	s1 =	sld [smem:$0x3FA7]  }
0x28: {  	s2 =	sld [smem:$0x3FA8]  }
0x29: {  	s4 =	sld [smem:$0x3FAA]  }
0x2a: {  	p0 =	seq.s32 s5, $0x0;
	s5 =	sld [smem:$0x3FAB]  }
0x2b: {  	s6 =	sld [smem:$0x3FAC]  }
0x2c: {  	s7 =	sld [smem:$0x3FAD]  }
0x2d: {  	s3 =	simm.s32 $0x108;
	s8 =	sld [smem:$0x3FAE]  }
0x2e: {  	s3 =	simm.s32 @!p0 $0x1082;
	s9 =	sld [smem:$0x3FAF]  }
0x2f: {  	lr =	sadd.s32 s0, s3;
	s0 =	sld [smem:$0x3FA6]  }
0x30: {  	s3 =	sld [smem:$0x3FA9]  }
0x31: {  	[smem:$0x3FB2] =	sst s10  }
0x32: {  	s10 =	sld [smem:$0x3FB0];
	_ =	sdelay $0x3  }
0x33: {  	p0 =	seq.s32 s10, $0x1;
	s10 =	sld [smem:$0x3FB2];
	_ =	sdelay $0x3  }
0x34: {  	[smem:$0x3FB2] =	sst s10  }
0x35: {  	s10 =	sld [smem:$0x3FB1];
	_ =	sdelay $0x3  }
0x36: {  	p1 =	seq.s32 s10, $0x1;
	s10 =	sld [smem:$0x3FB2];
	_ =	sdelay $0x3  }
0x37: {  	[smem:$0x3FB2] =	sst s10  }
0x38: {  	s10 =	sld [smem:$0x3FB3]  }
0x39: {  	_ = 	snop;
	(pc) =	sbr.ind lr, $3  }
0x3a: {  	_ = 	snop  }
0x3b: {  	_ = 	snop  }
0x3c: {  	p2 =	seq.s32 s10, $0x1;
	s10 =	sld [smem:$0x3FB2]  }
0x3d: {  	_ =	shalt  }
0x3e: {  	_ =	shalt  }
0x3f: {  	_ =	shalt  }
0x40: {  	_ =	shalt  }
0x41: {  	_ =	shalt  }
0x42: {  	_ =	shalt  }
0x43: {  	_ =	shalt  }
0x44: {  	_ =	shalt  }
0x45: {  	_ =	shalt  }
0x46: {  	_ =	shalt  }
0x47: {  	_ =	shalt  }
0x48: {  	_ =	shalt  }
0x49: {  	_ =	shalt  }
0x4a: {  	_ =	shalt  }
0x4b: {  	_ =	shalt  }
0x4c: {  	_ =	shalt  }
0x4d: {  	_ =	shalt  }
0x4e: {  	_ =	shalt  }
0x4f: {  	_ =	shalt  }
0x50: {  	_ =	shalt  }
0x51: {  	_ =	shalt  }
0x52: {  	_ =	shalt  }
0x53: {  	_ =	shalt  }
0x54: {  	_ =	shalt  }
0x55: {  	_ =	shalt  }
0x56: {  	_ =	shalt  }
0x57: {  	_ =	shalt  }
0x58: {  	_ =	shalt  }
0x59: {  	_ =	shalt  }
0x5a: {  	_ =	shalt  }
0x5b: {  	_ =	shalt  }
0x5c: {  	_ =	shalt  }
0x5d: {  	_ =	shalt  }
0x5e: {  	_ =	shalt  }
0x5f: {  	_ =	shalt  }
0x60: {  	_ =	shalt  }
0x61: {  	_ =	shalt  }
0x62: {  	_ =	shalt  }
0x63: {  	_ =	shalt  }
0x64: {  	_ =	shalt  }
0x65: {  	_ =	shalt  }
0x66: {  	_ =	shalt  }
0x67: {  	_ =	shalt  }
0x68: {  	_ =	shalt  }
0x69: {  	_ =	shalt  }
0x6a: {  	_ =	shalt  }
0x6b: {  	_ =	shalt  }
0x6c: {  	_ =	shalt  }
0x6d: {  	_ =	shalt  }
0x6e: {  	_ =	shalt  }
0x6f: {  	_ =	shalt  }
0x70: {  	_ =	shalt  }
0x71: {  	_ =	shalt  }
0x72: {  	_ =	shalt  }
0x73: {  	_ =	shalt  }
0x74: {  	_ =	shalt  }
0x75: {  	_ =	shalt  }
0x76: {  	_ =	shalt  }
0x77: {  	_ =	shalt  }
0x78: {  	_ =	shalt  }
0x79: {  	_ =	shalt  }
0x7a: {  	_ =	shalt  }
0x7b: {  	_ =	shalt  }
0x7c: {  	_ =	shalt  }
0x7d: {  	_ =	shalt  }
0x7e: {  	_ =	shalt  }
0x7f: {  	_ =	shalt  }
0x80: {  	_ =	shalt  }
0x81: {  	_ =	shalt  }
0x82: {  	_ =	shalt  }
0x83: {  	_ =	shalt  }
0x84: {  	_ =	shalt  }
0x85: {  	_ =	shalt  }
0x86: {  	_ =	shalt  }
0x87: {  	_ =	shalt  }
.Lfunc_end0:
.L_simem_size_0:
called_computation_lowered:
.L_overlay_start_0:
0x88: {  	s2 =	sld [smem:$0x3FD9]  }
0x89: {  	s3 =	sld [smem:$0x3FFE];
	_ =	sdelay $0x1  }
0x8a: {  	s1 =	srdreg.scid  }
0x8b: {  	s0 =	sand.u32 $0x1, s1  }
0x8c: {  	s17 =	sshll.u32 s0, $0xA;
	s2 =	sadd.s32 s3, s2  }
0x8d: {  	s2 =	sadd.s32 s2, s17  }
0x8e: {  	[smem:$0x3FBE] =	sst s2  }
0x8f: {  	_ = 	snop  }
0x90: {  	s2 =	sld [smem:$0x3FD0];
	(tm) =	ssettm $0x1  }
0x91: {  	s18 =	sld [smem:$0x3FFB];
	_ =	sdelay $0x3  }
0x92: {  	_ =	strace s18  }
0x93: {  	s3 =	sld [smem:$0x3FFC];
	_ =	sdelay $0x3  }
0x94: {  	_ =	strace s3  }
0x95: {  	s3 =	sld [smem:$0x3FFD];
	_ =	sdelay $0x3  }
0x96: {  	_ =	strace s3  }
0x97: {  	_ =	strace $0x8FFFFFFF  }
0x98: {  	s19 =	sld [smem:$0x3FDB];
	_ =	sdelay $0x1  }
0x99: {  	s4 =	simm.s32 $_scs_section_size  }
0x9a: {  	s5 =	simm.s32 $_size__tile_overlayer_lowered;
	s6 =	simm.s32 $_tile_overlayer_lowered  }
0x9b: {  	s22 =	simm.s32 $0x1BFF;
	s21 =	sshll.u32 s6, $0x1;
	s3 =	sadd.s32 s4, s19  }
0x9c: {  	s7 =	simm.s32 $0x0;
	s20 =	sshll.u32 s5, $0x1;
	s5 =	sadd.s32 s21, s3  }
0x9d: {  	[timem:s7], [sflag:s22] =	dma.local [hbm:s5], s20  }
0x9e: {  	_ =	swait.ge [sflag:s22], s20  }
0x9f: {  	s4 =	ssub.s32 $0x0, s20;
	[sflag:s22] =	ssyncset.done $0x0  }
0xa0: {  	[sflag:s22] =	ssyncadd.s32 s4;
	_ =	sdelay $0x1  }
0xa1: {  	s23 =	simm.s32 $0x1B8B  }
0xa2: {  	_ =	swait.ge [sflag:s23], $0x1  }
0xa3: {  	[sflag:s23] =	ssyncset.done $0x0  }
0xa4: {  	s25 =	simm.s32 $0x1B8E;
	s24 =	sld [smem:$0x3FFE];
	[sflag:s23] =	ssyncadd.s32 $0xFFFFFFFF  }
0xa5: {  	s26 =	simm.s32 $execute0_lowered;
	[smem:$0x3FD2] =	sst s25  }
0xa6: {  	s5 =	sshll.u32 s26, $0x1;
	_ =	strace $0x80000046;
	[dreg:$0x1] =	wrdreg $0xFFFFFFFF  }
0xa7: {  	s28 =	simm.s32 $_size_execute0_lowered;
	s3 =	sadd.s32 s3, s5;
	[dreg:$0x0] =	wrdreg $0x0  }
0xa8: {  	s5 =	sshll.u32 s28, $0x1;
	[dreg:$0x2] =	wrdreg s3  }
0xa9: {  	[dreg:$0x3] =	wrdreg s5  }
0xaa: {  	[dreg:$0x4] =	wrdreg $0xC0  }
0xab: {  	_ =	task [dreg:s7], $0x5FFFF  }
0xac: {  	[dreg:$0x1] =	wrdreg $0xFFFFFFFF  }
0xad: {  	[dreg:$0x0] =	wrdreg $0x60  }
0xae: {  	[dreg:$0x2] =	wrdreg s2  }
0xaf: {  	[dreg:$0x3] =	wrdreg s24  }
0xb0: {  	[dreg:$0x4] =	wrdreg $0x9  }
0xb1: {  	_ =	task.clear_ibuf [dreg:s7], $0x5FFFF;
	_ =	strace $0x90000046  }
0xb2: {  	s29 =	simm.s32 $0x9;
	_ =	strace $0x80000048  }
0xb3: {  	_ =	swait.ge [sflag:s29], $0x1  }
0xb4: {  	[sflag:s29] =	ssyncadd.s32 $0xFFFFFFFF  }
0xb5: {  	_ =	strace $0x90000048  }
0xb6: {  	_ =	sfence  }
0xb7: {  	s30 =	sld [smem:$0x0];
	_ =	sdelay $0x2  }
0xb8: {  	s31 =	sshll.u32 s1, $0xD;
	s1 =	sshrl.u32 s1, $0x2  }
0xb9: {  	s3 =	sand.u32 $0x4000, s31;
	s1 =	sadd.s32 s1, s30  }
0xba: {  	s0 =	sor.u32 s3, s0;
	s1 =	sshll.u32 s1, $0x11  }
0xbb: {  	s0 =	sor.u32 s1, s0  }
0xbc: {  	s0 =	sadd.s32 $0x8F2B, s0  }
0xbd: {  	[sflag:s0] =	ssyncadd.remote.s32 $0x1  }
0xbe: {  	_ =	sfence.sel $0xFFFF  }
0xbf: {  	[dreg:$0x0] =	wrdreg $0xFFFFFFFF;
	(pc) =	sbr.abs _section_cstart, $3  }
0xc0: {  	[dreg:$0x1] =	wrdreg $0xFFFFFFFF  }
0xc1: {  	_ =	task.clear_ibuf [dreg:s7], $0x2FFFF;
	_ =	strace $0x9FFFFFFF  }
0xc2: {  	(tm) =	ssettm $0x7FFFFFFF  }
0xc3: {  	_ =	shalt  }
tec
execute0_lowered:
.L_overlay_start_1:
0x0: {  	(tag) =	ssettag $0x1  }
0x1: {  	s1 =	srdreg.scid  }
0x2: {  	s2 =	rddreg [dreg:$0x0];
	s0 =	stileid.u32  }
0x3: {  	s4 =	rddreg [dreg:$0x1];
	s3 =	simm.s32 $0x0;
	s8 =	simm.s32 $0x80  }
0x4: {  	s26 =	simm.s32 $0x880;
	s9 =	simm.s32 $0x1080;
	s10 =	simm.s32 $0x1880  }
0x5: {  	s11 =	simm.s32 $0x2080;
	s12 =	simm.s32 $0x2880;
	s13 =	simm.s32 $0x3080  }
0x6: {  	s14 =	simm.s32 $0x3880;
	s15 =	simm.s32 $0x4080;
	s16 =	simm.s32 $0x4880  }
0x7: {  	s17 =	simm.s32 $0x5080;
	s18 =	simm.s32 $0x5880;
	s19 =	simm.s32 $0x6080  }
0x8: {  	s20 =	simm.s32 $0x6880;
	s21 =	simm.s32 $0x7080;
	s22 =	simm.s32 $0x7880  }
0x9: {  	s23 =	simm.s32 $0x8080;
	s24 =	simm.s32 $0x8880;
	s28 =	simm.s32 $0xA080  }
0xa: {  	s29 =	simm.s32 $0xA880;
	s30 =	simm.s32 $0xB080;
	s31 =	simm.s32 $0xB880  }
0xb: {  	s1 =	sand.u32 $0x1, s1;
	s5 =	sshll.u32 s0, $0x4;
	[smem:$0x7FF] =	sst s3  }
0xc: {  	s6 =	sshll.u32 s1, $0x3;
	s1 =	ssub.s32 $0x2, s1;
	_ =	strace $0x80000047  }
0xd: {  	[dreg:$0x5] =	wrdreg s26;
	s26 =	simm.s32 $0x9880;
	s5 =	sor.u32 s6, s5  }
0xe: {  	s7 =	sshrl.u32 s1, $0x1;
	s6 =	smul.u32 $0x300, s5;
	s5 =	sadd.s32 s5, s4  }
0xf: {  	s1 =	ssub.s32 s1, s7;
	s7 =	simm.s32 $0x2;
	s25 =	sadd.s32 $0x1E00, s5  }
0x10: {  	v2 =	vlaneseq.u32;
	s5 =	sadd.s32 $0x200, s2;
	s6 =	sadd.s32 s6, s4;
	[dreg:$0x3] =	wrdreg s25  }
0x11: {  	vm0 =	vmmov $0xffff;
	v1 =	vshrl.u32 v2, $0x3;
	s4 =	sadd.s32 $0x100, s2;
	s25 =	simm.s32 $0x9080;
	s6 =	sadd.s32 $0x2000, s6  }
0x12: {  	v0 =	vand.u32 $0x7, v2;
	v2 =	vor.u32 $0x8, v2;
	v1 =	vmul.u32 $0x8, v1;
	[dreg:$0x4] =	wrdreg s6;
	s6 =	smax.u32 s1, $0x1;
	s1 =	simm.s32 $0x1  }
.LBB2_1:
0x13: {  	s0 =	rddreg [dreg:$0x3]  }
0x14: {  	[tilespmem:s3], [sflag:$0x2] =	stream.linear.gather [hbm4b:s0+s3], $0x40, $0x38;
	[tilespmem:$0xC080] =	vst v63  }
0x15: {  	_ =	swait.ge [sflag:s7], $0x40  }
0x16: {  	[sflag:s7] =	ssyncset.done $0x0  }
0x17: {  	[sflag:s7] =	ssyncadd.s32 $0xFFFFFFC0  }
0x18: {  	v3 =	vld [tilespmem:$0x0];
	_ =	sdelay $0x4  }
0x19: {  	v4 =	vshrl.u32 v3, $0x3  }
0x1a: {  	v4 =	vmul.u32 $0x30, v4  }
0x1b: {  	v3 =	vand.u32 $0x7, v3  }
0x1c: {  	v3 =	vor.u32 v3, v4  }
0x1d: {  	v4 =	vperm.xlane v3, v0;
	_ =	sdelay $0x1  }
0x1e: {  	v4 =	vadd.s32 v1, v4;
	_ =	sdelay $0x3  }
0x1f: {  	v3 =	vperm.xlane v3, v2  }
0x20: {  	[tilespmem:s8], [sflag:$0x1] =	stream.indirect_vreg.gather [hbm4b:s2+s3], $0x80, v4, vm0, $0xb8;
	[tilespmem:$0xC080] =	vst v63  }
0x21: {  	s0 =	rddreg [dreg:$0x5];
	v3 =	vadd.s32 v1, v3  }
0x22: {  	[tilespmem:s0], [sflag:$0x1] =	stream.indirect_vreg.gather [hbm4b:s4+s3], $0x80, v4, vm0, $0xb8;
	[tilespmem:$0xC080] =	vst v63  }
0x23: {  	_ = 	snop  }
0x24: {  	[tilespmem:s9], [sflag:$0x1] =	stream.indirect_vreg.gather [hbm4b:s5+s3], $0x80, v4, vm0, $0xb8;
	[tilespmem:$0xC080] =	vst v63  }
0x25: {  	_ = 	snop  }
0x26: {  	[tilespmem:s10], [sflag:$0x1] =	stream.indirect_vreg.gather [hbm4b:s2+s3], $0x80, v3, vm0, $0xb8;
	[tilespmem:$0xC080] =	vst v63  }
0x27: {  	_ = 	snop  }
0x28: {  	[tilespmem:s11], [sflag:$0x1] =	stream.indirect_vreg.gather [hbm4b:s4+s3], $0x80, v3, vm0, $0xb8;
	[tilespmem:$0xC080] =	vst v63  }
0x29: {  	_ = 	snop  }
0x2a: {  	[tilespmem:s12], [sflag:$0x1] =	stream.indirect_vreg.gather [hbm4b:s5+s3], $0x80, v3, vm0, $0xb8;
	[tilespmem:$0xC080] =	vst v63  }
0x2b: {  	v3 =	vld [tilespmem:$0x10];
	_ =	sdelay $0x4  }
0x2c: {  	v61 =	vshrl.u32 v3, $0x3  }
0x2d: {  	v4 =	vmul.u32 $0x30, v61  }
0x2e: {  	v3 =	vand.u32 $0x7, v3  }
0x2f: {  	v3 =	vor.u32 v3, v4  }
0x30: {  	v4 =	vperm.xlane v3, v0;
	_ =	sdelay $0x1  }
0x31: {  	v4 =	vadd.s32 v1, v4;
	_ =	sdelay $0x3  }
0x32: {  	v3 =	vperm.xlane v3, v2  }
0x33: {  	[tilespmem:s13], [sflag:$0x1] =	stream.indirect_vreg.gather [hbm4b:s2+s3], $0x80, v4, vm0, $0xb8;
	[tilespmem:$0xC080] =	vst v63  }
0x34: {  	v3 =	vadd.s32 v1, v3  }
0x35: {  	[tilespmem:s14], [sflag:$0x1] =	stream.indirect_vreg.gather [hbm4b:s4+s3], $0x80, v4, vm0, $0xb8;
	[tilespmem:$0xC080] =	vst v63  }
0x36: {  	_ = 	snop  }
0x37: {  	[tilespmem:s15], [sflag:$0x1] =	stream.indirect_vreg.gather [hbm4b:s5+s3], $0x80, v4, vm0, $0xb8;
	[tilespmem:$0xC080] =	vst v63  }
0x38: {  	_ = 	snop  }
0x39: {  	[tilespmem:s16], [sflag:$0x1] =	stream.indirect_vreg.gather [hbm4b:s2+s3], $0x80, v3, vm0, $0xb8;
	[tilespmem:$0xC080] =	vst v63  }
0x3a: {  	_ = 	snop  }
0x3b: {  	[tilespmem:s17], [sflag:$0x1] =	stream.indirect_vreg.gather [hbm4b:s4+s3], $0x80, v3, vm0, $0xb8;
	[tilespmem:$0xC080] =	vst v63  }
0x3c: {  	_ = 	snop  }
0x3d: {  	[tilespmem:s18], [sflag:$0x1] =	stream.indirect_vreg.gather [hbm4b:s5+s3], $0x80, v3, vm0, $0xb8;
	[tilespmem:$0xC080] =	vst v63  }
0x3e: {  	v3 =	vld [tilespmem:$0x20];
	_ =	sdelay $0x4  }
0x3f: {  	v62 =	vshrl.u32 v3, $0x3  }
0x40: {  	v4 =	vmul.u32 $0x30, v62  }
0x41: {  	v3 =	vand.u32 $0x7, v3  }
0x42: {  	v3 =	vor.u32 v3, v4  }
0x43: {  	v4 =	vperm.xlane v3, v0;
	_ =	sdelay $0x1  }
0x44: {  	v4 =	vadd.s32 v1, v4;
	_ =	sdelay $0x3  }
0x45: {  	v3 =	vperm.xlane v3, v2  }
0x46: {  	[tilespmem:s19], [sflag:$0x1] =	stream.indirect_vreg.gather [hbm4b:s2+s3], $0x80, v4, vm0, $0xb8;
	[tilespmem:$0xC080] =	vst v63  }
0x47: {  	v3 =	vadd.s32 v1, v3  }
0x48: {  	[tilespmem:s20], [sflag:$0x1] =	stream.indirect_vreg.gather [hbm4b:s4+s3], $0x80, v4, vm0, $0xb8;
	[tilespmem:$0xC080] =	vst v63  }
0x49: {  	_ = 	snop  }
0x4a: {  	[tilespmem:s21], [sflag:$0x1] =	stream.indirect_vreg.gather [hbm4b:s5+s3], $0x80, v4, vm0, $0xb8;
	[tilespmem:$0xC080] =	vst v63  }
0x4b: {  	_ = 	snop  }
0x4c: {  	[tilespmem:s22], [sflag:$0x1] =	stream.indirect_vreg.gather [hbm4b:s2+s3], $0x80, v3, vm0, $0xb8;
	[tilespmem:$0xC080] =	vst v63  }
0x4d: {  	_ = 	snop  }
0x4e: {  	[tilespmem:s23], [sflag:$0x1] =	stream.indirect_vreg.gather [hbm4b:s4+s3], $0x80, v3, vm0, $0xb8;
	[tilespmem:$0xC080] =	vst v63  }
0x4f: {  	_ = 	snop  }
0x50: {  	[tilespmem:s24], [sflag:$0x1] =	stream.indirect_vreg.gather [hbm4b:s5+s3], $0x80, v3, vm0, $0xb8;
	[tilespmem:$0xC080] =	vst v63  }
0x51: {  	v3 =	vld [tilespmem:$0x30];
	_ =	sdelay $0x4  }
0x52: {  	v63 =	vshrl.u32 v3, $0x3  }
0x53: {  	v4 =	vmul.u32 $0x30, v63  }
0x54: {  	v3 =	vand.u32 $0x7, v3  }
0x55: {  	v3 =	vor.u32 v3, v4  }
0x56: {  	v4 =	vperm.xlane v3, v0;
	_ =	sdelay $0x1  }
0x57: {  	v4 =	vadd.s32 v1, v4;
	_ =	sdelay $0x3  }
0x58: {  	v3 =	vperm.xlane v3, v2  }
0x59: {  	[tilespmem:s25], [sflag:$0x1] =	stream.indirect_vreg.gather [hbm4b:s2+s3], $0x80, v4, vm0, $0xb8;
	[tilespmem:$0xC080] =	vst v63  }
0x5a: {  	v3 =	vadd.s32 v1, v3  }
0x5b: {  	[tilespmem:s26], [sflag:$0x1] =	stream.indirect_vreg.gather [hbm4b:s4+s3], $0x80, v4, vm0, $0xb8;
	[tilespmem:$0xC080] =	vst v63  }
0x5c: {  	_ = 	snop  }
0x5d: {  	[tilespmem:s28], [sflag:$0x1] =	stream.indirect_vreg.gather [hbm4b:s5+s3], $0x80, v4, vm0, $0xb8;
	[tilespmem:$0xC080] =	vst v63  }
0x5e: {  	_ = 	snop  }
0x5f: {  	[tilespmem:s29], [sflag:$0x1] =	stream.indirect_vreg.gather [hbm4b:s2+s3], $0x80, v3, vm0, $0xb8;
	[tilespmem:$0xC080] =	vst v63  }
0x60: {  	_ = 	snop  }
0x61: {  	[tilespmem:s30], [sflag:$0x1] =	stream.indirect_vreg.gather [hbm4b:s4+s3], $0x80, v3, vm0, $0xb8;
	[tilespmem:$0xC080] =	vst v63  }
0x62: {  	_ = 	snop  }
0x63: {  	[tilespmem:s31], [sflag:$0x1] =	stream.indirect_vreg.gather [hbm4b:s5+s3], $0x80, v3, vm0, $0xb8;
	[tilespmem:$0xC080] =	vst v63  }
0x64: {  	_ =	swait.ge [sflag:s1], $0xC000  }
0x65: {  	p0 =	sne.s32 s6, $0x1;
	[sflag:s1] =	ssyncset.done $0x0  }
.Ltmp0:
0x66: {  	s0 =	rddreg [dreg:$0x4];
	[sflag:s1] =	ssyncadd.s32 $0xFFFF4000;
	(pc) =	sbr.rel @p0 .LBB2_1-.Ltmp0, $4  }
0x67: {  	[hbm4b:s0+s3] =	stream.linear.scatter [tilespmem:s8], [sflag:$0x2], $0xC000, $0x38;
	[tilespmem:$0xC080] =	vst v63  }
0x68: {  	_ =	swait.ge [sflag:s7], $0xC000  }
0x69: {  	[sflag:s7] =	ssyncset.done $0x0  }
0x6a: {  	s6 =	sadd.s32 $0xFFFFFFFF, s6;
	[sflag:s7] =	ssyncadd.s32 $0xFFFF4000  }
0x6b: {  	_ =	sfence.sel $0x180000  }
0x6c: {  	[bflag:$0x0] =	sbarrier.arrive $0xFFFF  }
0x6d: {  	_ =	strace $0x90000047  }
0x6e: {  	s0 =	stileid.u32;
	[bflag:$0x2] =	sbarrier.arrive $0xFFFF  }
0x6f: {  	p0 =	sne.s32 s0, $0x0;
	s0 =	rddreg [dreg:$0x2]  }
0x70: {  	s0 =	sadd.s32 @!p0 $0x100000, s0  }
0x71: {  	[sflag:s0] =	ssyncadd.tile.s32 @!p0 $0x1;
	_ =	shalt  }
.Lfunc_end2:
_tile_overlayer_lowered:
.L_overlay_start_2:
0x72: {  	(tag) =	ssettag $0x2  }
0x73: {  	s0 =	rddreg [dreg:$0x0];
	s2 =	stileid.u32  }
0x74: {  	s1 =	rddreg [dreg:$0x1];
	p0 =	sne.s32 s2, $0x0  }
0x75: {  	s3 =	rddreg [dreg:$0x2];
	[bflag:$0x3] =	sbarrier.arrive $0xFFFF;
	s2 =	simm.s32 @!p0 $0x1C02  }
0x76: {  	[timem:s3], [sflag:s2] =	dma.local @!p0 [hbm:s0], s1  }
0x77: {  	s0 =	simm.s32 @!p0 $0x2  }
0x78: {  	_ =	swait.ge @!p0 [sflag:s0], s1  }
0x79: {  	s1 =	ssub.s32 @!p0 $0x0, s1;
	[sflag:s0] =	ssyncset.done @!p0 $0x0  }
0x7a: {  	[sflag:s0] =	ssyncadd.s32 @!p0 s1  }
0x7b: {  	[bflag:$0x3] =	sbarrier.arrive $0xFFFF  }
0x7c: {  	_ =	shalt  }

</sc_bundles>
